<compile_context>
chip_gen: v7x
topology: tpu7x:2x2x1
jax: 0.10.2.dev20260603
libtpu: 0.0.44.dev20260713+nightly
codegen_flags: <defaults>
</compile_context>

<pallas_src>
import functools

import jax
import jax.numpy as jnp
from jax import lax
from jax.experimental import pallas as pl
from jax.experimental.pallas import tpu as pltpu
from jax.experimental.pallas import tpu_sc as plsc

_BATCH = 16384
_FIELDS = 26
_DIM = 64
_TOTAL = _BATCH * _FIELDS


def _build():
    info = plsc.get_sparse_core_info()
    nc, ns = info.num_cores, info.num_subcores
    nw = nc * ns
    rows_per_w = _TOTAL // nw
    assert rows_per_w * nw == _TOTAL

    nbuf = 4
    chunk = 256
    n_chunks = rows_per_w // chunk
    assert n_chunks * chunk == rows_per_w
    n_groups = n_chunks // nbuf
    assert n_groups * nbuf == n_chunks
    g = 128
    n_g = chunk // g

    mesh = plsc.VectorSubcoreMesh(core_axis_name="c", subcore_axis_name="s")

    @functools.partial(
        pl.kernel,
        mesh=mesh,
        out_type=jax.ShapeDtypeStruct((_TOTAL, _DIM), jnp.float32),
        scratch_types=[
            pltpu.VMEM((rows_per_w,), jnp.int32),
        ] + [pltpu.VMEM((chunk, _DIM), jnp.float32) for _ in range(nbuf)]
          + [pltpu.SemaphoreType.DMA for _ in range(2 * nbuf)],
        compiler_params=pltpu.CompilerParams(use_tc_tiling_on_sc=False),
    )
    def emb(idx_hbm, table_hbm, out_hbm, idx_all, *bufs_and_sems):
        rows = bufs_and_sems[:nbuf]
        sem_g = bufs_and_sems[nbuf:2 * nbuf]
        sem_s = bufs_and_sems[2 * nbuf:]
        wid = lax.axis_index("s") * nc + lax.axis_index("c")
        base = wid * rows_per_w
        pltpu.sync_copy(idx_hbm.at[pl.ds(base, rows_per_w)], idx_all)

        def group(i, carry):
            s = i * nbuf
            handles = []
            for b in range(nbuf):
                cstart = (s + b) * chunk

                @pl.when(i >= 1)
                def _():
                    pltpu.make_async_copy(
                        rows[b], out_hbm.at[pl.ds(base, chunk)], sem_s[b]
                    ).wait()

                hb = []
                for j in range(n_g):
                    hb.append(pltpu.async_copy(
                        table_hbm.at[idx_all.at[pl.ds(cstart + j * g, g)]],
                        rows[b].at[pl.ds(j * g, g)],
                        sem_g[b],
                    ))
                handles.append(hb)
            for b in range(nbuf):
                for c in handles[b]:
                    c.wait()
                pltpu.async_copy(
                    rows[b],
                    out_hbm.at[pl.ds(base + (s + b) * chunk, chunk)],
                    sem_s[b],
                )
            return carry

        lax.fori_loop(0, n_groups, group, 0)
        for b in range(nbuf):
            pltpu.make_async_copy(
                rows[b], out_hbm.at[pl.ds(base, chunk)], sem_s[b]
            ).wait()

    return emb


_emb = _build()


def kernel(input, table):
    idx_flat = input.reshape(_TOTAL)
    out = _emb(idx_flat, table)
    return out.reshape(_BATCH, _FIELDS, _DIM)

# --- scband reference (transcript-rebuilt; emitter-appended) ---
"""Pipeline reference for scband-embed-28235115004133 (READ-ONLY COPY).

The authoritative reference and input builder live on the scoring server;
editing this copy changes nothing except your own understanding.
"""

import jax, jax.numpy as jnp
import numpy as np

N_EMBED = 1000000
EMBED_DIM = 64
BATCH = 16384
FIELDS = 26
D_OUT = (BATCH, FIELDS, EMBED_DIM)


def setup_inputs(seed: int = 0) -> dict:
    key = jax.random.key(seed)
    k1, k2 = jax.random.split(key)
    indices = jax.random.randint(k1, (BATCH, FIELDS), 0, N_EMBED, dtype=jnp.int64 if jax.config.jax_enable_x64 else jnp.int32)
    table = jax.random.normal(k2, (N_EMBED, EMBED_DIM), dtype=jnp.float32)
    return {"input": indices, "table": table}


def reference(input, table):
    # nn.Embedding lookup (max_norm=None, dropout disabled => identity)
    out = jnp.take(table, input, axis=0)
    # self.result.view(*self.G.d_out)
    return out.reshape(D_OUT)

if __name__ == "__main__":
    import jax
    _d = setup_inputs()
    print(jax.jit(kernel)(*tuple(_d.values())))

</pallas_src>

<mosaic_0001>
#map = affine_map<(d0, d1) -> (0)>
#map1 = affine_map<(d0, d1) -> (0, 0)>
module attributes {stable_mosaic.version = 14 : i64} {
  func.func @emb(%arg0: i32, %arg1: i32, %arg2: memref<425984xi32, #tpu.memory_space<hbm>>, %arg3: memref<1000000x64xf32, #tpu.memory_space<hbm>>, %arg4: memref<425984x64xf32, #tpu.memory_space<hbm>>, %arg5: memref<13312xi32, #tpu.memory_space<vmem>>, %arg6: memref<256x64xf32, #tpu.memory_space<vmem>>, %arg7: memref<256x64xf32, #tpu.memory_space<vmem>>, %arg8: memref<256x64xf32, #tpu.memory_space<vmem>>, %arg9: memref<256x64xf32, #tpu.memory_space<vmem>>, %arg10: memref<!tpu.dma_semaphore, #tpu.memory_space<semaphore_mem>>, %arg11: memref<!tpu.dma_semaphore, #tpu.memory_space<semaphore_mem>>, %arg12: memref<!tpu.dma_semaphore, #tpu.memory_space<semaphore_mem>>, %arg13: memref<!tpu.dma_semaphore, #tpu.memory_space<semaphore_mem>>, %arg14: memref<!tpu.dma_semaphore, #tpu.memory_space<semaphore_mem>>, %arg15: memref<!tpu.dma_semaphore, #tpu.memory_space<semaphore_mem>>, %arg16: memref<!tpu.dma_semaphore, #tpu.memory_space<semaphore_mem>>, %arg17: memref<!tpu.dma_semaphore, #tpu.memory_space<semaphore_mem>>) attributes {dimension_semantics = [#tpu.dimension_semantics<core_parallel>, #tpu.dimension_semantics<subcore_parallel>], iteration_bounds = array<i64: 2, 16>, scalar_prefetch = 0 : i64, scratch_operands = 13 : i64, tpu.core_type = #tpu.core_type<sc_vector_subcore>, window_params = [{transform_indices = #map}, {transform_indices = #map1}, {transform_indices = #map1}]} {
    %mul3A = arith.constant 2 : i32
    %mul3A_0 = arith.muli %arg1, %mul3A : i32
    %add3A = arith.addi %mul3A_0, %arg0 : i32
    %mul3A_1 = arith.constant 13312 : i32
    %mul3A_2 = arith.muli %add3A, %mul3A_1 : i32
    "tpu.region"() ({
      %run_scoped3A = tpu.sem_alloc : memref<!tpu.dma_semaphore, #tpu.memory_space<semaphore_mem>>
      %dma_start3A = tpu.memref_slice %arg2[%mul3A_2] : memref<425984xi32, #tpu.memory_space<hbm>> -> memref<13312xi32, #tpu.memory_space<hbm>>
      %dma_start3A_23 = tpu.memref_slice %arg2[%mul3A_2] : memref<425984xi32, #tpu.memory_space<hbm>> -> memref<13312xi32, #tpu.memory_space<hbm>>
      tpu.enqueue_dma source(%dma_start3A_23 : memref<13312xi32, #tpu.memory_space<hbm>>) target(%arg5 : memref<13312xi32, #tpu.memory_space<vmem>>) target_semaphore(%run_scoped3A : memref<!tpu.dma_semaphore, #tpu.memory_space<semaphore_mem>>)
      %dma_wait3A_24 = tpu.memref_slice %arg2[%mul3A_2] : memref<425984xi32, #tpu.memory_space<hbm>> -> memref<13312xi32, #tpu.memory_space<hbm>>
      %dma_wait3A_25 = tpu.memref_slice %arg2[%mul3A_2] : memref<425984xi32, #tpu.memory_space<hbm>> -> memref<13312xi32, #tpu.memory_space<hbm>>
      tpu.wait_dma2 semaphore(%run_scoped3A : memref<!tpu.dma_semaphore, #tpu.memory_space<semaphore_mem>>) src(%dma_wait3A_25 : memref<13312xi32, #tpu.memory_space<hbm>>) dst(%arg5 : memref<13312xi32, #tpu.memory_space<vmem>>)
      tpu.yield
    }) : () -> ()
    %scan3A = arith.constant 0 : i32
    %scan3A_3 = arith.constant 0 : i32
    %scan3A_4 = arith.constant 13 : i32
    %scan3A_5 = arith.addi %scan3A_3, %scan3A_4 : i32
    %scan3A_6 = arith.constant 1 : i32
    scf.for %scan3A_23 = %scan3A_3 to %scan3A_5 step %scan3A_6  : i32 {
      %mul3A_24 = arith.constant 4 : i32
      %mul3A_25 = arith.muli %scan3A_23, %mul3A_24 : i32
      %add3A_26 = arith.constant 0 : i32
      %add3A_27 = arith.addi %mul3A_25, %add3A_26 : i32
      %mul3A_28 = arith.constant 256 : i32
      %mul3A_29 = arith.muli %add3A_27, %mul3A_28 : i32
      %ge3A = arith.constant 1 : i32
      %ge3A_30 = arith.cmpi sge, %scan3A_23, %ge3A : i32
      %convert_element_type3A = arith.extui %ge3A_30 : i1 to i32
      %cond3A = arith.constant 0 : i32
      %cond3A_31 = arith.cmpi ne, %convert_element_type3A, %cond3A : i32
      scf.if %cond3A_31 {
        %dma_wait3A_222 = arith.constant 0 : i32
        %dma_wait3A_223 = tpu.memref_slice %arg4[%mul3A_2, %dma_wait3A_222] : memref<425984x64xf32, #tpu.memory_space<hbm>> -> memref<256x64xf32, #tpu.memory_space<hbm>>
        %dma_wait3A_224 = arith.constant 0 : i32
        %dma_wait3A_225 = tpu.memref_slice %arg4[%mul3A_2, %dma_wait3A_224] : memref<425984x64xf32, #tpu.memory_space<hbm>> -> memref<256x64xf32, #tpu.memory_space<hbm>>
        tpu.wait_dma2 semaphore(%arg14 : memref<!tpu.dma_semaphore, #tpu.memory_space<semaphore_mem>>) src(%arg6 : memref<256x64xf32, #tpu.memory_space<vmem>>) dst(%dma_wait3A_225 : memref<256x64xf32, #tpu.memory_space<hbm>>)
      } else {
      }
      %add3A_32 = arith.constant 0 : i32
      %add3A_33 = arith.addi %mul3A_29, %add3A_32 : i32
      %dma_start3A = arith.constant 0 : i32
      %dma_start3A_34 = arith.constant 0 : i32
      %dma_start3A_35 = tpu.memref_slice %arg6[%dma_start3A, %dma_start3A_34] : memref<256x64xf32, #tpu.memory_space<vmem>> -> memref<128x64xf32, #tpu.memory_space<vmem>>
      %dma_start3A_36 = tpu.memref_slice %arg5[%add3A_33] : memref<13312xi32, #tpu.memory_space<vmem>> -> memref<128xi32, #tpu.memory_space<vmem>>
      %dma_start3A_37 = arith.constant 0 : i32
      %dma_start3A_38 = arith.constant 0 : i32
      %dma_start3A_39 = tpu.memref_slice %arg3[%dma_start3A_37, %dma_start3A_38] : memref<1000000x64xf32, #tpu.memory_space<hbm>> -> memref<1000000x64xf32, #tpu.memory_space<hbm>>
      tpu.enqueue_indirect_dma source(%dma_start3A_39 : memref<1000000x64xf32, #tpu.memory_space<hbm>>) target(%dma_start3A_35 : memref<128x64xf32, #tpu.memory_space<vmem>>) offsets(%dma_start3A_36 : memref<128xi32, #tpu.memory_space<vmem>>) semaphore(%arg10 : memref<!tpu.dma_semaphore, #tpu.memory_space<semaphore_mem>>)
      %add3A_40 = arith.constant 128 : i32
      %add3A_41 = arith.addi %mul3A_29, %add3A_40 : i32
      %dma_start3A_42 = arith.constant 128 : i32
      %dma_start3A_43 = arith.constant 0 : i32
      %dma_start3A_44 = tpu.memref_slice %arg6[%dma_start3A_42, %dma_start3A_43] : memref<256x64xf32, #tpu.memory_space<vmem>> -> memref<128x64xf32, #tpu.memory_space<vmem>>
      %dma_start3A_45 = tpu.memref_slice %arg5[%add3A_41] : memref<13312xi32, #tpu.memory_space<vmem>> -> memref<128xi32, #tpu.memory_space<vmem>>
      %dma_start3A_46 = arith.constant 0 : i32
      %dma_start3A_47 = arith.constant 0 : i32
      %dma_start3A_48 = tpu.memref_slice %arg3[%dma_start3A_46, %dma_start3A_47] : memref<1000000x64xf32, #tpu.memory_space<hbm>> -> memref<1000000x64xf32, #tpu.memory_space<hbm>>
      tpu.enqueue_indirect_dma source(%dma_start3A_48 : memref<1000000x64xf32, #tpu.memory_space<hbm>>) target(%dma_start3A_44 : memref<128x64xf32, #tpu.memory_space<vmem>>) offsets(%dma_start3A_45 : memref<128xi32, #tpu.memory_space<vmem>>) semaphore(%arg10 : memref<!tpu.dma_semaphore, #tpu.memory_space<semaphore_mem>>)
      %add3A_49 = arith.constant 1 : i32
      %add3A_50 = arith.addi %mul3A_25, %add3A_49 : i32
      %mul3A_51 = arith.constant 256 : i32
      %mul3A_52 = arith.muli %add3A_50, %mul3A_51 : i32
      %ge3A_53 = arith.constant 1 : i32
      %ge3A_54 = arith.cmpi sge, %scan3A_23, %ge3A_53 : i32
      %convert_element_type3A_55 = arith.extui %ge3A_54 : i1 to i32
      %cond3A_56 = arith.constant 0 : i32
      %cond3A_57 = arith.cmpi ne, %convert_element_type3A_55, %cond3A_56 : i32
      scf.if %cond3A_57 {
        %dma_wait3A_222 = arith.constant 0 : i32
        %dma_wait3A_223 = tpu.memref_slice %arg4[%mul3A_2, %dma_wait3A_222] : memref<425984x64xf32, #tpu.memory_space<hbm>> -> memref<256x64xf32, #tpu.memory_space<hbm>>
        %dma_wait3A_224 = arith.constant 0 : i32
        %dma_wait3A_225 = tpu.memref_slice %arg4[%mul3A_2, %dma_wait3A_224] : memref<425984x64xf32, #tpu.memory_space<hbm>> -> memref<256x64xf32, #tpu.memory_space<hbm>>
        tpu.wait_dma2 semaphore(%arg15 : memref<!tpu.dma_semaphore, #tpu.memory_space<semaphore_mem>>) src(%arg7 : memref<256x64xf32, #tpu.memory_space<vmem>>) dst(%dma_wait3A_225 : memref<256x64xf32, #tpu.memory_space<hbm>>)
      } else {
      }
      %add3A_58 = arith.constant 0 : i32
      %add3A_59 = arith.addi %mul3A_52, %add3A_58 : i32
      %dma_start3A_60 = arith.constant 0 : i32
      %dma_start3A_61 = arith.constant 0 : i32
      %dma_start3A_62 = tpu.memref_slice %arg7[%dma_start3A_60, %dma_start3A_61] : memref<256x64xf32, #tpu.memory_space<vmem>> -> memref<128x64xf32, #tpu.memory_space<vmem>>
      %dma_start3A_63 = tpu.memref_slice %arg5[%add3A_59] : memref<13312xi32, #tpu.memory_space<vmem>> -> memref<128xi32, #tpu.memory_space<vmem>>
      %dma_start3A_64 = arith.constant 0 : i32
      %dma_start3A_65 = arith.constant 0 : i32
      %dma_start3A_66 = tpu.memref_slice %arg3[%dma_start3A_64, %dma_start3A_65] : memref<1000000x64xf32, #tpu.memory_space<hbm>> -> memref<1000000x64xf32, #tpu.memory_space<hbm>>
      tpu.enqueue_indirect_dma source(%dma_start3A_66 : memref<1000000x64xf32, #tpu.memory_space<hbm>>) target(%dma_start3A_62 : memref<128x64xf32, #tpu.memory_space<vmem>>) offsets(%dma_start3A_63 : memref<128xi32, #tpu.memory_space<vmem>>) semaphore(%arg11 : memref<!tpu.dma_semaphore, #tpu.memory_space<semaphore_mem>>)
      %add3A_67 = arith.constant 128 : i32
      %add3A_68 = arith.addi %mul3A_52, %add3A_67 : i32
      %dma_start3A_69 = arith.constant 128 : i32
      %dma_start3A_70 = arith.constant 0 : i32
      %dma_start3A_71 = tpu.memref_slice %arg7[%dma_start3A_69, %dma_start3A_70] : memref<256x64xf32, #tpu.memory_space<vmem>> -> memref<128x64xf32, #tpu.memory_space<vmem>>
      %dma_start3A_72 = tpu.memref_slice %arg5[%add3A_68] : memref<13312xi32, #tpu.memory_space<vmem>> -> memref<128xi32, #tpu.memory_space<vmem>>
      %dma_start3A_73 = arith.constant 0 : i32
      %dma_start3A_74 = arith.constant 0 : i32
      %dma_start3A_75 = tpu.memref_slice %arg3[%dma_start3A_73, %dma_start3A_74] : memref<1000000x64xf32, #tpu.memory_space<hbm>> -> memref<1000000x64xf32, #tpu.memory_space<hbm>>
      tpu.enqueue_indirect_dma source(%dma_start3A_75 : memref<1000000x64xf32, #tpu.memory_space<hbm>>) target(%dma_start3A_71 : memref<128x64xf32, #tpu.memory_space<vmem>>) offsets(%dma_start3A_72 : memref<128xi32, #tpu.memory_space<vmem>>) semaphore(%arg11 : memref<!tpu.dma_semaphore, #tpu.memory_space<semaphore_mem>>)
      %add3A_76 = arith.constant 2 : i32
      %add3A_77 = arith.addi %mul3A_25, %add3A_76 : i32
      %mul3A_78 = arith.constant 256 : i32
      %mul3A_79 = arith.muli %add3A_77, %mul3A_78 : i32
      %ge3A_80 = arith.constant 1 : i32
      %ge3A_81 = arith.cmpi sge, %scan3A_23, %ge3A_80 : i32
      %convert_element_type3A_82 = arith.extui %ge3A_81 : i1 to i32
      %cond3A_83 = arith.constant 0 : i32
      %cond3A_84 = arith.cmpi ne, %convert_element_type3A_82, %cond3A_83 : i32
      scf.if %cond3A_84 {
        %dma_wait3A_222 = arith.constant 0 : i32
        %dma_wait3A_223 = tpu.memref_slice %arg4[%mul3A_2, %dma_wait3A_222] : memref<425984x64xf32, #tpu.memory_space<hbm>> -> memref<256x64xf32, #tpu.memory_space<hbm>>
        %dma_wait3A_224 = arith.constant 0 : i32
        %dma_wait3A_225 = tpu.memref_slice %arg4[%mul3A_2, %dma_wait3A_224] : memref<425984x64xf32, #tpu.memory_space<hbm>> -> memref<256x64xf32, #tpu.memory_space<hbm>>
        tpu.wait_dma2 semaphore(%arg16 : memref<!tpu.dma_semaphore, #tpu.memory_space<semaphore_mem>>) src(%arg8 : memref<256x64xf32, #tpu.memory_space<vmem>>) dst(%dma_wait3A_225 : memref<256x64xf32, #tpu.memory_space<hbm>>)
      } else {
      }
      %add3A_85 = arith.constant 0 : i32
      %add3A_86 = arith.addi %mul3A_79, %add3A_85 : i32
      %dma_start3A_87 = arith.constant 0 : i32
      %dma_start3A_88 = arith.constant 0 : i32
      %dma_start3A_89 = tpu.memref_slice %arg8[%dma_start3A_87, %dma_start3A_88] : memref<256x64xf32, #tpu.memory_space<vmem>> -> memref<128x64xf32, #tpu.memory_space<vmem>>
      %dma_start3A_90 = tpu.memref_slice %arg5[%add3A_86] : memref<13312xi32, #tpu.memory_space<vmem>> -> memref<128xi32, #tpu.memory_space<vmem>>
      %dma_start3A_91 = arith.constant 0 : i32
      %dma_start3A_92 = arith.constant 0 : i32
      %dma_start3A_93 = tpu.memref_slice %arg3[%dma_start3A_91, %dma_start3A_92] : memref<1000000x64xf32, #tpu.memory_space<hbm>> -> memref<1000000x64xf32, #tpu.memory_space<hbm>>
      tpu.enqueue_indirect_dma source(%dma_start3A_93 : memref<1000000x64xf32, #tpu.memory_space<hbm>>) target(%dma_start3A_89 : memref<128x64xf32, #tpu.memory_space<vmem>>) offsets(%dma_start3A_90 : memref<128xi32, #tpu.memory_space<vmem>>) semaphore(%arg12 : memref<!tpu.dma_semaphore, #tpu.memory_space<semaphore_mem>>)
      %add3A_94 = arith.constant 128 : i32
      %add3A_95 = arith.addi %mul3A_79, %add3A_94 : i32
      %dma_start3A_96 = arith.constant 128 : i32
      %dma_start3A_97 = arith.constant 0 : i32
      %dma_start3A_98 = tpu.memref_slice %arg8[%dma_start3A_96, %dma_start3A_97] : memref<256x64xf32, #tpu.memory_space<vmem>> -> memref<128x64xf32, #tpu.memory_space<vmem>>
      %dma_start3A_99 = tpu.memref_slice %arg5[%add3A_95] : memref<13312xi32, #tpu.memory_space<vmem>> -> memref<128xi32, #tpu.memory_space<vmem>>
      %dma_start3A_100 = arith.constant 0 : i32
      %dma_start3A_101 = arith.constant 0 : i32
      %dma_start3A_102 = tpu.memref_slice %arg3[%dma_start3A_100, %dma_start3A_101] : memref<1000000x64xf32, #tpu.memory_space<hbm>> -> memref<1000000x64xf32, #tpu.memory_space<hbm>>
      tpu.enqueue_indirect_dma source(%dma_start3A_102 : memref<1000000x64xf32, #tpu.memory_space<hbm>>) target(%dma_start3A_98 : memref<128x64xf32, #tpu.memory_space<vmem>>) offsets(%dma_start3A_99 : memref<128xi32, #tpu.memory_space<vmem>>) semaphore(%arg12 : memref<!tpu.dma_semaphore, #tpu.memory_space<semaphore_mem>>)
      %add3A_103 = arith.constant 3 : i32
      %add3A_104 = arith.addi %mul3A_25, %add3A_103 : i32
      %mul3A_105 = arith.constant 256 : i32
      %mul3A_106 = arith.muli %add3A_104, %mul3A_105 : i32
      %ge3A_107 = arith.constant 1 : i32
      %ge3A_108 = arith.cmpi sge, %scan3A_23, %ge3A_107 : i32
      %convert_element_type3A_109 = arith.extui %ge3A_108 : i1 to i32
      %cond3A_110 = arith.constant 0 : i32
      %cond3A_111 = arith.cmpi ne, %convert_element_type3A_109, %cond3A_110 : i32
      scf.if %cond3A_111 {
        %dma_wait3A_222 = arith.constant 0 : i32
        %dma_wait3A_223 = tpu.memref_slice %arg4[%mul3A_2, %dma_wait3A_222] : memref<425984x64xf32, #tpu.memory_space<hbm>> -> memref<256x64xf32, #tpu.memory_space<hbm>>
        %dma_wait3A_224 = arith.constant 0 : i32
        %dma_wait3A_225 = tpu.memref_slice %arg4[%mul3A_2, %dma_wait3A_224] : memref<425984x64xf32, #tpu.memory_space<hbm>> -> memref<256x64xf32, #tpu.memory_space<hbm>>
        tpu.wait_dma2 semaphore(%arg17 : memref<!tpu.dma_semaphore, #tpu.memory_space<semaphore_mem>>) src(%arg9 : memref<256x64xf32, #tpu.memory_space<vmem>>) dst(%dma_wait3A_225 : memref<256x64xf32, #tpu.memory_space<hbm>>)
      } else {
      }
      %add3A_112 = arith.constant 0 : i32
      %add3A_113 = arith.addi %mul3A_106, %add3A_112 : i32
      %dma_start3A_114 = arith.constant 0 : i32
      %dma_start3A_115 = arith.constant 0 : i32
      %dma_start3A_116 = tpu.memref_slice %arg9[%dma_start3A_114, %dma_start3A_115] : memref<256x64xf32, #tpu.memory_space<vmem>> -> memref<128x64xf32, #tpu.memory_space<vmem>>
      %dma_start3A_117 = tpu.memref_slice %arg5[%add3A_113] : memref<13312xi32, #tpu.memory_space<vmem>> -> memref<128xi32, #tpu.memory_space<vmem>>
      %dma_start3A_118 = arith.constant 0 : i32
      %dma_start3A_119 = arith.constant 0 : i32
      %dma_start3A_120 = tpu.memref_slice %arg3[%dma_start3A_118, %dma_start3A_119] : memref<1000000x64xf32, #tpu.memory_space<hbm>> -> memref<1000000x64xf32, #tpu.memory_space<hbm>>
      tpu.enqueue_indirect_dma source(%dma_start3A_120 : memref<1000000x64xf32, #tpu.memory_space<hbm>>) target(%dma_start3A_116 : memref<128x64xf32, #tpu.memory_space<vmem>>) offsets(%dma_start3A_117 : memref<128xi32, #tpu.memory_space<vmem>>) semaphore(%arg13 : memref<!tpu.dma_semaphore, #tpu.memory_space<semaphore_mem>>)
      %add3A_121 = arith.constant 128 : i32
      %add3A_122 = arith.addi %mul3A_106, %add3A_121 : i32
      %dma_start3A_123 = arith.constant 128 : i32
      %dma_start3A_124 = arith.constant 0 : i32
      %dma_start3A_125 = tpu.memref_slice %arg9[%dma_start3A_123, %dma_start3A_124] : memref<256x64xf32, #tpu.memory_space<vmem>> -> memref<128x64xf32, #tpu.memory_space<vmem>>
      %dma_start3A_126 = tpu.memref_slice %arg5[%add3A_122] : memref<13312xi32, #tpu.memory_space<vmem>> -> memref<128xi32, #tpu.memory_space<vmem>>
      %dma_start3A_127 = arith.constant 0 : i32
      %dma_start3A_128 = arith.constant 0 : i32
      %dma_start3A_129 = tpu.memref_slice %arg3[%dma_start3A_127, %dma_start3A_128] : memref<1000000x64xf32, #tpu.memory_space<hbm>> -> memref<1000000x64xf32, #tpu.memory_space<hbm>>
      tpu.enqueue_indirect_dma source(%dma_start3A_129 : memref<1000000x64xf32, #tpu.memory_space<hbm>>) target(%dma_start3A_125 : memref<128x64xf32, #tpu.memory_space<vmem>>) offsets(%dma_start3A_126 : memref<128xi32, #tpu.memory_space<vmem>>) semaphore(%arg13 : memref<!tpu.dma_semaphore, #tpu.memory_space<semaphore_mem>>)
      %dma_wait3A_130 = arith.constant 0 : i32
      %dma_wait3A_131 = arith.constant 0 : i32
      %dma_wait3A_132 = tpu.memref_slice %arg6[%dma_wait3A_130, %dma_wait3A_131] : memref<256x64xf32, #tpu.memory_space<vmem>> -> memref<128x64xf32, #tpu.memory_space<vmem>>
      %dma_wait3A_133 = tpu.memref_slice %arg5[%add3A_33] : memref<13312xi32, #tpu.memory_space<vmem>> -> memref<128xi32, #tpu.memory_space<vmem>>
      %dma_wait3A_134 = arith.constant 0 : i32
      %dma_wait3A_135 = arith.constant 0 : i32
      %dma_wait3A_136 = tpu.memref_slice %arg3[%dma_wait3A_134, %dma_wait3A_135] : memref<1000000x64xf32, #tpu.memory_space<hbm>> -> memref<1000000x64xf32, #tpu.memory_space<hbm>>
      tpu.wait_indirect_dma semaphore(%arg10 : memref<!tpu.dma_semaphore, #tpu.memory_space<semaphore_mem>>) src(%dma_wait3A_136 : memref<1000000x64xf32, #tpu.memory_space<hbm>>) dst(%dma_wait3A_132 : memref<128x64xf32, #tpu.memory_space<vmem>>)
      %dma_wait3A_137 = arith.constant 128 : i32
      %dma_wait3A_138 = arith.constant 0 : i32
      %dma_wait3A_139 = tpu.memref_slice %arg6[%dma_wait3A_137, %dma_wait3A_138] : memref<256x64xf32, #tpu.memory_space<vmem>> -> memref<128x64xf32, #tpu.memory_space<vmem>>
      %dma_wait3A_140 = tpu.memref_slice %arg5[%add3A_41] : memref<13312xi32, #tpu.memory_space<vmem>> -> memref<128xi32, #tpu.memory_space<vmem>>
      %dma_wait3A_141 = arith.constant 0 : i32
      %dma_wait3A_142 = arith.constant 0 : i32
      %dma_wait3A_143 = tpu.memref_slice %arg3[%dma_wait3A_141, %dma_wait3A_142] : memref<1000000x64xf32, #tpu.memory_space<hbm>> -> memref<1000000x64xf32, #tpu.memory_space<hbm>>
      tpu.wait_indirect_dma semaphore(%arg10 : memref<!tpu.dma_semaphore, #tpu.memory_space<semaphore_mem>>) src(%dma_wait3A_143 : memref<1000000x64xf32, #tpu.memory_space<hbm>>) dst(%dma_wait3A_139 : memref<128x64xf32, #tpu.memory_space<vmem>>)
      %add3A_144 = arith.constant 0 : i32
      %add3A_145 = arith.addi %mul3A_25, %add3A_144 : i32
      %mul3A_146 = arith.constant 256 : i32
      %mul3A_147 = arith.muli %add3A_145, %mul3A_146 : i32
      %add3A_148 = arith.addi %mul3A_2, %mul3A_147 : i32
      %dma_start3A_149 = arith.constant 0 : i32
      %dma_start3A_150 = tpu.memref_slice %arg4[%add3A_148, %dma_start3A_149] : memref<425984x64xf32, #tpu.memory_space<hbm>> -> memref<256x64xf32, #tpu.memory_space<hbm>>
      %dma_start3A_151 = arith.constant 0 : i32
      %dma_start3A_152 = tpu.memref_slice %arg4[%add3A_148, %dma_start3A_151] : memref<425984x64xf32, #tpu.memory_space<hbm>> -> memref<256x64xf32, #tpu.memory_space<hbm>>
      tpu.enqueue_dma source(%arg6 : memref<256x64xf32, #tpu.memory_space<vmem>>) target(%dma_start3A_152 : memref<256x64xf32, #tpu.memory_space<hbm>>) target_semaphore(%arg14 : memref<!tpu.dma_semaphore, #tpu.memory_space<semaphore_mem>>)
      %dma_wait3A_153 = arith.constant 0 : i32
      %dma_wait3A_154 = arith.constant 0 : i32
      %dma_wait3A_155 = tpu.memref_slice %arg7[%dma_wait3A_153, %dma_wait3A_154] : memref<256x64xf32, #tpu.memory_space<vmem>> -> memref<128x64xf32, #tpu.memory_space<vmem>>
      %dma_wait3A_156 = tpu.memref_slice %arg5[%add3A_59] : memref<13312xi32, #tpu.memory_space<vmem>> -> memref<128xi32, #tpu.memory_space<vmem>>
      %dma_wait3A_157 = arith.constant 0 : i32
      %dma_wait3A_158 = arith.constant 0 : i32
      %dma_wait3A_159 = tpu.memref_slice %arg3[%dma_wait3A_157, %dma_wait3A_158] : memref<1000000x64xf32, #tpu.memory_space<hbm>> -> memref<1000000x64xf32, #tpu.memory_space<hbm>>
      tpu.wait_indirect_dma semaphore(%arg11 : memref<!tpu.dma_semaphore, #tpu.memory_space<semaphore_mem>>) src(%dma_wait3A_159 : memref<1000000x64xf32, #tpu.memory_space<hbm>>) dst(%dma_wait3A_155 : memref<128x64xf32, #tpu.memory_space<vmem>>)
      %dma_wait3A_160 = arith.constant 128 : i32
      %dma_wait3A_161 = arith.constant 0 : i32
      %dma_wait3A_162 = tpu.memref_slice %arg7[%dma_wait3A_160, %dma_wait3A_161] : memref<256x64xf32, #tpu.memory_space<vmem>> -> memref<128x64xf32, #tpu.memory_space<vmem>>
      %dma_wait3A_163 = tpu.memref_slice %arg5[%add3A_68] : memref<13312xi32, #tpu.memory_space<vmem>> -> memref<128xi32, #tpu.memory_space<vmem>>
      %dma_wait3A_164 = arith.constant 0 : i32
      %dma_wait3A_165 = arith.constant 0 : i32
      %dma_wait3A_166 = tpu.memref_slice %arg3[%dma_wait3A_164, %dma_wait3A_165] : memref<1000000x64xf32, #tpu.memory_space<hbm>> -> memref<1000000x64xf32, #tpu.memory_space<hbm>>
      tpu.wait_indirect_dma semaphore(%arg11 : memref<!tpu.dma_semaphore, #tpu.memory_space<semaphore_mem>>) src(%dma_wait3A_166 : memref<1000000x64xf32, #tpu.memory_space<hbm>>) dst(%dma_wait3A_162 : memref<128x64xf32, #tpu.memory_space<vmem>>)
      %add3A_167 = arith.constant 1 : i32
      %add3A_168 = arith.addi %mul3A_25, %add3A_167 : i32
      %mul3A_169 = arith.constant 256 : i32
      %mul3A_170 = arith.muli %add3A_168, %mul3A_169 : i32
      %add3A_171 = arith.addi %mul3A_2, %mul3A_170 : i32
      %dma_start3A_172 = arith.constant 0 : i32
      %dma_start3A_173 = tpu.memref_slice %arg4[%add3A_171, %dma_start3A_172] : memref<425984x64xf32, #tpu.memory_space<hbm>> -> memref<256x64xf32, #tpu.memory_space<hbm>>
      %dma_start3A_174 = arith.constant 0 : i32
      %dma_start3A_175 = tpu.memref_slice %arg4[%add3A_171, %dma_start3A_174] : memref<425984x64xf32, #tpu.memory_space<hbm>> -> memref<256x64xf32, #tpu.memory_space<hbm>>
      tpu.enqueue_dma source(%arg7 : memref<256x64xf32, #tpu.memory_space<vmem>>) target(%dma_start3A_175 : memref<256x64xf32, #tpu.memory_space<hbm>>) target_semaphore(%arg15 : memref<!tpu.dma_semaphore, #tpu.memory_space<semaphore_mem>>)
      %dma_wait3A_176 = arith.constant 0 : i32
      %dma_wait3A_177 = arith.constant 0 : i32
      %dma_wait3A_178 = tpu.memref_slice %arg8[%dma_wait3A_176, %dma_wait3A_177] : memref<256x64xf32, #tpu.memory_space<vmem>> -> memref<128x64xf32, #tpu.memory_space<vmem>>
      %dma_wait3A_179 = tpu.memref_slice %arg5[%add3A_86] : memref<13312xi32, #tpu.memory_space<vmem>> -> memref<128xi32, #tpu.memory_space<vmem>>
      %dma_wait3A_180 = arith.constant 0 : i32
      %dma_wait3A_181 = arith.constant 0 : i32
      %dma_wait3A_182 = tpu.memref_slice %arg3[%dma_wait3A_180, %dma_wait3A_181] : memref<1000000x64xf32, #tpu.memory_space<hbm>> -> memref<1000000x64xf32, #tpu.memory_space<hbm>>
      tpu.wait_indirect_dma semaphore(%arg12 : memref<!tpu.dma_semaphore, #tpu.memory_space<semaphore_mem>>) src(%dma_wait3A_182 : memref<1000000x64xf32, #tpu.memory_space<hbm>>) dst(%dma_wait3A_178 : memref<128x64xf32, #tpu.memory_space<vmem>>)
      %dma_wait3A_183 = arith.constant 128 : i32
      %dma_wait3A_184 = arith.constant 0 : i32
      %dma_wait3A_185 = tpu.memref_slice %arg8[%dma_wait3A_183, %dma_wait3A_184] : memref<256x64xf32, #tpu.memory_space<vmem>> -> memref<128x64xf32, #tpu.memory_space<vmem>>
      %dma_wait3A_186 = tpu.memref_slice %arg5[%add3A_95] : memref<13312xi32, #tpu.memory_space<vmem>> -> memref<128xi32, #tpu.memory_space<vmem>>
      %dma_wait3A_187 = arith.constant 0 : i32
      %dma_wait3A_188 = arith.constant 0 : i32
      %dma_wait3A_189 = tpu.memref_slice %arg3[%dma_wait3A_187, %dma_wait3A_188] : memref<1000000x64xf32, #tpu.memory_space<hbm>> -> memref<1000000x64xf32, #tpu.memory_space<hbm>>
      tpu.wait_indirect_dma semaphore(%arg12 : memref<!tpu.dma_semaphore, #tpu.memory_space<semaphore_mem>>) src(%dma_wait3A_189 : memref<1000000x64xf32, #tpu.memory_space<hbm>>) dst(%dma_wait3A_185 : memref<128x64xf32, #tpu.memory_space<vmem>>)
      %add3A_190 = arith.constant 2 : i32
      %add3A_191 = arith.addi %mul3A_25, %add3A_190 : i32
      %mul3A_192 = arith.constant 256 : i32
      %mul3A_193 = arith.muli %add3A_191, %mul3A_192 : i32
      %add3A_194 = arith.addi %mul3A_2, %mul3A_193 : i32
      %dma_start3A_195 = arith.constant 0 : i32
      %dma_start3A_196 = tpu.memref_slice %arg4[%add3A_194, %dma_start3A_195] : memref<425984x64xf32, #tpu.memory_space<hbm>> -> memref<256x64xf32, #tpu.memory_space<hbm>>
      %dma_start3A_197 = arith.constant 0 : i32
      %dma_start3A_198 = tpu.memref_slice %arg4[%add3A_194, %dma_start3A_197] : memref<425984x64xf32, #tpu.memory_space<hbm>> -> memref<256x64xf32, #tpu.memory_space<hbm>>
      tpu.enqueue_dma source(%arg8 : memref<256x64xf32, #tpu.memory_space<vmem>>) target(%dma_start3A_198 : memref<256x64xf32, #tpu.memory_space<hbm>>) target_semaphore(%arg16 : memref<!tpu.dma_semaphore, #tpu.memory_space<semaphore_mem>>)
      %dma_wait3A_199 = arith.constant 0 : i32
      %dma_wait3A_200 = arith.constant 0 : i32
      %dma_wait3A_201 = tpu.memref_slice %arg9[%dma_wait3A_199, %dma_wait3A_200] : memref<256x64xf32, #tpu.memory_space<vmem>> -> memref<128x64xf32, #tpu.memory_space<vmem>>
      %dma_wait3A_202 = tpu.memref_slice %arg5[%add3A_113] : memref<13312xi32, #tpu.memory_space<vmem>> -> memref<128xi32, #tpu.memory_space<vmem>>
      %dma_wait3A_203 = arith.constant 0 : i32
      %dma_wait3A_204 = arith.constant 0 : i32
      %dma_wait3A_205 = tpu.memref_slice %arg3[%dma_wait3A_203, %dma_wait3A_204] : memref<1000000x64xf32, #tpu.memory_space<hbm>> -> memref<1000000x64xf32, #tpu.memory_space<hbm>>
      tpu.wait_indirect_dma semaphore(%arg13 : memref<!tpu.dma_semaphore, #tpu.memory_space<semaphore_mem>>) src(%dma_wait3A_205 : memref<1000000x64xf32, #tpu.memory_space<hbm>>) dst(%dma_wait3A_201 : memref<128x64xf32, #tpu.memory_space<vmem>>)
      %dma_wait3A_206 = arith.constant 128 : i32
      %dma_wait3A_207 = arith.constant 0 : i32
      %dma_wait3A_208 = tpu.memref_slice %arg9[%dma_wait3A_206, %dma_wait3A_207] : memref<256x64xf32, #tpu.memory_space<vmem>> -> memref<128x64xf32, #tpu.memory_space<vmem>>
      %dma_wait3A_209 = tpu.memref_slice %arg5[%add3A_122] : memref<13312xi32, #tpu.memory_space<vmem>> -> memref<128xi32, #tpu.memory_space<vmem>>
      %dma_wait3A_210 = arith.constant 0 : i32
      %dma_wait3A_211 = arith.constant 0 : i32
      %dma_wait3A_212 = tpu.memref_slice %arg3[%dma_wait3A_210, %dma_wait3A_211] : memref<1000000x64xf32, #tpu.memory_space<hbm>> -> memref<1000000x64xf32, #tpu.memory_space<hbm>>
      tpu.wait_indirect_dma semaphore(%arg13 : memref<!tpu.dma_semaphore, #tpu.memory_space<semaphore_mem>>) src(%dma_wait3A_212 : memref<1000000x64xf32, #tpu.memory_space<hbm>>) dst(%dma_wait3A_208 : memref<128x64xf32, #tpu.memory_space<vmem>>)
      %add3A_213 = arith.constant 3 : i32
      %add3A_214 = arith.addi %mul3A_25, %add3A_213 : i32
      %mul3A_215 = arith.constant 256 : i32
      %mul3A_216 = arith.muli %add3A_214, %mul3A_215 : i32
      %add3A_217 = arith.addi %mul3A_2, %mul3A_216 : i32
      %dma_start3A_218 = arith.constant 0 : i32
      %dma_start3A_219 = tpu.memref_slice %arg4[%add3A_217, %dma_start3A_218] : memref<425984x64xf32, #tpu.memory_space<hbm>> -> memref<256x64xf32, #tpu.memory_space<hbm>>
      %dma_start3A_220 = arith.constant 0 : i32
      %dma_start3A_221 = tpu.memref_slice %arg4[%add3A_217, %dma_start3A_220] : memref<425984x64xf32, #tpu.memory_space<hbm>> -> memref<256x64xf32, #tpu.memory_space<hbm>>
      tpu.enqueue_dma source(%arg9 : memref<256x64xf32, #tpu.memory_space<vmem>>) target(%dma_start3A_221 : memref<256x64xf32, #tpu.memory_space<hbm>>) target_semaphore(%arg17 : memref<!tpu.dma_semaphore, #tpu.memory_space<semaphore_mem>>)
    }
    %scan3A_7 = arith.constant 13 : i32
    %dma_wait3A = arith.constant 0 : i32
    %dma_wait3A_8 = tpu.memref_slice %arg4[%mul3A_2, %dma_wait3A] : memref<425984x64xf32, #tpu.memory_space<hbm>> -> memref<256x64xf32, #tpu.memory_space<hbm>>
    %dma_wait3A_9 = arith.constant 0 : i32
    %dma_wait3A_10 = tpu.memref_slice %arg4[%mul3A_2, %dma_wait3A_9] : memref<425984x64xf32, #tpu.memory_space<hbm>> -> memref<256x64xf32, #tpu.memory_space<hbm>>
    tpu.wait_dma2 semaphore(%arg14 : memref<!tpu.dma_semaphore, #tpu.memory_space<semaphore_mem>>) src(%arg6 : memref<256x64xf32, #tpu.memory_space<vmem>>) dst(%dma_wait3A_10 : memref<256x64xf32, #tpu.memory_space<hbm>>)
    %dma_wait3A_11 = arith.constant 0 : i32
    %dma_wait3A_12 = tpu.memref_slice %arg4[%mul3A_2, %dma_wait3A_11] : memref<425984x64xf32, #tpu.memory_space<hbm>> -> memref<256x64xf32, #tpu.memory_space<hbm>>
    %dma_wait3A_13 = arith.constant 0 : i32
    %dma_wait3A_14 = tpu.memref_slice %arg4[%mul3A_2, %dma_wait3A_13] : memref<425984x64xf32, #tpu.memory_space<hbm>> -> memref<256x64xf32, #tpu.memory_space<hbm>>
    tpu.wait_dma2 semaphore(%arg15 : memref<!tpu.dma_semaphore, #tpu.memory_space<semaphore_mem>>) src(%arg7 : memref<256x64xf32, #tpu.memory_space<vmem>>) dst(%dma_wait3A_14 : memref<256x64xf32, #tpu.memory_space<hbm>>)
    %dma_wait3A_15 = arith.constant 0 : i32
    %dma_wait3A_16 = tpu.memref_slice %arg4[%mul3A_2, %dma_wait3A_15] : memref<425984x64xf32, #tpu.memory_space<hbm>> -> memref<256x64xf32, #tpu.memory_space<hbm>>
    %dma_wait3A_17 = arith.constant 0 : i32
    %dma_wait3A_18 = tpu.memref_slice %arg4[%mul3A_2, %dma_wait3A_17] : memref<425984x64xf32, #tpu.memory_space<hbm>> -> memref<256x64xf32, #tpu.memory_space<hbm>>
    tpu.wait_dma2 semaphore(%arg16 : memref<!tpu.dma_semaphore, #tpu.memory_space<semaphore_mem>>) src(%arg8 : memref<256x64xf32, #tpu.memory_space<vmem>>) dst(%dma_wait3A_18 : memref<256x64xf32, #tpu.memory_space<hbm>>)
    %dma_wait3A_19 = arith.constant 0 : i32
    %dma_wait3A_20 = tpu.memref_slice %arg4[%mul3A_2, %dma_wait3A_19] : memref<425984x64xf32, #tpu.memory_space<hbm>> -> memref<256x64xf32, #tpu.memory_space<hbm>>
    %dma_wait3A_21 = arith.constant 0 : i32
    %dma_wait3A_22 = tpu.memref_slice %arg4[%mul3A_2, %dma_wait3A_21] : memref<425984x64xf32, #tpu.memory_space<hbm>> -> memref<256x64xf32, #tpu.memory_space<hbm>>
    tpu.wait_dma2 semaphore(%arg17 : memref<!tpu.dma_semaphore, #tpu.memory_space<semaphore_mem>>) src(%arg9 : memref<256x64xf32, #tpu.memory_space<vmem>>) dst(%dma_wait3A_22 : memref<256x64xf32, #tpu.memory_space<hbm>>)
    return
  }
}

</mosaic_0001>

<sc_bundles>
// kernel: kernel.3.cloned.1.call-start
scs
__scs_entry_jumppad:
0x0: {  	(pc) =	sbr.rel $0x88, $3  }
0x1: {  	(tag) =	ssettag $0x0;
	lr =	simm.s32 $0x1  }
0x2: {  	[smem:$0x3F9F] =	sst lr;
	_ =	strace $0xD0000000  }
0x3: {  	_ = 	snop  }
0x4: {  	_ = 	snop  }
0x5: {  	_ = 	snop  }
0x6: {  	_ = 	snop  }
0x7: {  	_ = 	snop  }
__scs_overlays_trampoline_lowered:
0x8: {  	[smem:$0x3FAE] =	sst s0  }
0x9: {  	[smem:$0x3FAF] =	sst s1  }
0xa: {  	[smem:$0x3FB0] =	sst s2  }
0xb: {  	[smem:$0x3FB1] =	sst s3  }
0xc: {  	[smem:$0x3FB2] =	sst s4  }
0xd: {  	[smem:$0x3FB3] =	sst s5  }
0xe: {  	[smem:$0x3FB4] =	sst s6  }
0xf: {  	[smem:$0x3FB5] =	sst s7  }
0x10: {  	[smem:$0x3FB6] =	sst s8  }
0x11: {  	[smem:$0x3FB7] =	sst s9;
	s0 =	simm.s32 @!p0 $0x0  }
0x12: {  	s1 =	sld [smem:$0x3F9D];
	s0 =	simm.s32 @p0 $0x1  }
0x13: {  	[smem:$0x3FB8] =	sst s0;
	s0 =	simm.s32 @!p1 $0x0  }
0x14: {  	s2 =	sld [smem:$0x3F9C];
	s0 =	simm.s32 @p1 $0x1  }
0x15: {  	[smem:$0x3FB9] =	sst s0;
	s0 =	simm.s32 @!p2 $0x0  }
0x16: {  	s3 =	sld [smem:$0x3FDB];
	s0 =	simm.s32 @p2 $0x1  }
0x17: {  	s4 =	simm.s32 $0x1BF5;
	[smem:$0x3FBB] =	sst s0  }
0x18: {  	s0 =	sld [smem:$0x3F9E];
	_ =	swait.ge [sflag:s4], $0x0  }
0x19: {  	s7 =	sld [smem:$0x3F9F]  }
0x1a: {  	s8 =	sadd.s32 $0xFFFFE003, lr  }
0x1b: {  	s9 =	sadd.s32 $0xFFFFFEF7, lr;
	s5 =	simm.s32 $0xFFFFFFFF;
	p2 =	slt.u32 s8, $0xFFFFF086  }
0x1c: {  	p1 =	slt.u32 s9, $0xF7A;
	s5 =	simm.s32 @!p2 $0x0  }
0x1d: {  	s5 =	simm.s32 @p1 $0x1;
	p0 =	seq.s32 s7, s2  }
0x1e: {  	s7 =	smul.u32 @!p0 $0xF7A, s2;
	p2 =	seq.s32 @!p0 s5, $0x0  }
0x1f: {  	s9 =	smul.u32 $0xF7A, s1;
	s8 =	simm.s32 @!p0 $0x1BF5;
	p2 =	por !p2, p0  }
0x20: {  	[sflag:s8] =	ssyncset.s32 @!p0 $0xFFFFF086;
	s6 =	sadd.s32 @!p0 s3, s7;
	s7 =	simm.s32 @!p0 $0x108  }
0x21: {  	s3 =	sadd.s32 s3, s9;
	s6 =	sadd.s32 @!p0 $0x88, s6;
	s7 =	simm.s32 @p2 $0x1082  }
0x22: {  	[simem:s7], [sflag:s8] =	dma.local @!p0 [hbm:s6], $0xF7A  }
0x23: {  	s9 =	sor.u32 $0xD0000000, s2;
	s6 =	simm.s32 $0x108;
	_ =	swait.ge @!p0 [sflag:s8], $0x0  }
0x24: {  	s3 =	sadd.s32 $0x88, s3;
	s6 =	simm.s32 @!p1 $0x1082;
	[sflag:s4] =	ssyncset.s32 $0xFFFFF086  }
0x25: {  	[simem:s6], [sflag:s4] =	dma.local [hbm:s3], $0xF7A  }
0x26: {  	[smem:$0x3F9F] =	sst s1;
	(tag) =	ssettag s2;
	_ =	strace s9  }
0x27: {  	s1 =	sld [smem:$0x3FAF]  }
0x28: {  	s2 =	sld [smem:$0x3FB0]  }
0x29: {  	s4 =	sld [smem:$0x3FB2]  }
0x2a: {  	p0 =	seq.s32 s5, $0x0;
	s5 =	sld [smem:$0x3FB3]  }
0x2b: {  	s6 =	sld [smem:$0x3FB4]  }
0x2c: {  	s7 =	sld [smem:$0x3FB5]  }
0x2d: {  	s3 =	simm.s32 $0x108;
	s8 =	sld [smem:$0x3FB6]  }
0x2e: {  	s3 =	simm.s32 @!p0 $0x1082;
	s9 =	sld [smem:$0x3FB7]  }
0x2f: {  	lr =	sadd.s32 s0, s3;
	s0 =	sld [smem:$0x3FAE]  }
0x30: {  	s3 =	sld [smem:$0x3FB1]  }
0x31: {  	[smem:$0x3FBA] =	sst s10  }
0x32: {  	s10 =	sld [smem:$0x3FB8];
	_ =	sdelay $0x3  }
0x33: {  	p0 =	seq.s32 s10, $0x1;
	s10 =	sld [smem:$0x3FBA];
	_ =	sdelay $0x3  }
0x34: {  	[smem:$0x3FBA] =	sst s10  }
0x35: {  	s10 =	sld [smem:$0x3FB9];
	_ =	sdelay $0x3  }
0x36: {  	p1 =	seq.s32 s10, $0x1;
	s10 =	sld [smem:$0x3FBA];
	_ =	sdelay $0x3  }
0x37: {  	[smem:$0x3FBA] =	sst s10  }
0x38: {  	s10 =	sld [smem:$0x3FBB]  }
0x39: {  	_ = 	snop;
	(pc) =	sbr.ind lr, $3  }
0x3a: {  	_ = 	snop  }
0x3b: {  	_ = 	snop  }
0x3c: {  	p2 =	seq.s32 s10, $0x1;
	s10 =	sld [smem:$0x3FBA]  }
0x3d: {  	_ =	shalt  }
0x3e: {  	_ =	shalt  }
0x3f: {  	_ =	shalt  }
0x40: {  	_ =	shalt  }
0x41: {  	_ =	shalt  }
0x42: {  	_ =	shalt  }
0x43: {  	_ =	shalt  }
0x44: {  	_ =	shalt  }
0x45: {  	_ =	shalt  }
0x46: {  	_ =	shalt  }
0x47: {  	_ =	shalt  }
0x48: {  	_ =	shalt  }
0x49: {  	_ =	shalt  }
0x4a: {  	_ =	shalt  }
0x4b: {  	_ =	shalt  }
0x4c: {  	_ =	shalt  }
0x4d: {  	_ =	shalt  }
0x4e: {  	_ =	shalt  }
0x4f: {  	_ =	shalt  }
0x50: {  	_ =	shalt  }
0x51: {  	_ =	shalt  }
0x52: {  	_ =	shalt  }
0x53: {  	_ =	shalt  }
0x54: {  	_ =	shalt  }
0x55: {  	_ =	shalt  }
0x56: {  	_ =	shalt  }
0x57: {  	_ =	shalt  }
0x58: {  	_ =	shalt  }
0x59: {  	_ =	shalt  }
0x5a: {  	_ =	shalt  }
0x5b: {  	_ =	shalt  }
0x5c: {  	_ =	shalt  }
0x5d: {  	_ =	shalt  }
0x5e: {  	_ =	shalt  }
0x5f: {  	_ =	shalt  }
0x60: {  	_ =	shalt  }
0x61: {  	_ =	shalt  }
0x62: {  	_ =	shalt  }
0x63: {  	_ =	shalt  }
0x64: {  	_ =	shalt  }
0x65: {  	_ =	shalt  }
0x66: {  	_ =	shalt  }
0x67: {  	_ =	shalt  }
0x68: {  	_ =	shalt  }
0x69: {  	_ =	shalt  }
0x6a: {  	_ =	shalt  }
0x6b: {  	_ =	shalt  }
0x6c: {  	_ =	shalt  }
0x6d: {  	_ =	shalt  }
0x6e: {  	_ =	shalt  }
0x6f: {  	_ =	shalt  }
0x70: {  	_ =	shalt  }
0x71: {  	_ =	shalt  }
0x72: {  	_ =	shalt  }
0x73: {  	_ =	shalt  }
0x74: {  	_ =	shalt  }
0x75: {  	_ =	shalt  }
0x76: {  	_ =	shalt  }
0x77: {  	_ =	shalt  }
0x78: {  	_ =	shalt  }
0x79: {  	_ =	shalt  }
0x7a: {  	_ =	shalt  }
0x7b: {  	_ =	shalt  }
0x7c: {  	_ =	shalt  }
0x7d: {  	_ =	shalt  }
0x7e: {  	_ =	shalt  }
0x7f: {  	_ =	shalt  }
0x80: {  	_ =	shalt  }
0x81: {  	_ =	shalt  }
0x82: {  	_ =	shalt  }
0x83: {  	_ =	shalt  }
0x84: {  	_ =	shalt  }
0x85: {  	_ =	shalt  }
0x86: {  	_ =	shalt  }
0x87: {  	_ =	shalt  }
.Lfunc_end0:
.L_simem_size_0:
called_computation.1_lowered:
.L_overlay_start_0:
0x88: {  	s2 =	sld [smem:$0x3FD9]  }
0x89: {  	s3 =	sld [smem:$0x3FFE];
	_ =	sdelay $0x1  }
0x8a: {  	s1 =	srdreg.scid  }
0x8b: {  	s0 =	sand.u32 $0x1, s1  }
0x8c: {  	s17 =	sshll.u32 s0, $0xA;
	s2 =	sadd.s32 s3, s2  }
0x8d: {  	s2 =	sadd.s32 s2, s17  }
0x8e: {  	[smem:$0x3FC6] =	sst s2  }
0x8f: {  	_ = 	snop  }
0x90: {  	s2 =	sld [smem:$0x3FD0];
	(tm) =	ssettm $0x1  }
0x91: {  	s18 =	sld [smem:$0x3FFB];
	_ =	sdelay $0x3  }
0x92: {  	_ =	strace s18  }
0x93: {  	s3 =	sld [smem:$0x3FFC];
	_ =	sdelay $0x3  }
0x94: {  	_ =	strace s3  }
0x95: {  	s3 =	sld [smem:$0x3FFD];
	_ =	sdelay $0x3  }
0x96: {  	_ =	strace s3  }
0x97: {  	_ =	strace $0x8FFFFFFF  }
0x98: {  	s19 =	sld [smem:$0x3FDB];
	_ =	sdelay $0x1  }
0x99: {  	s4 =	simm.s32 $_scs_section_size  }
0x9a: {  	s5 =	simm.s32 $_size__tile_overlayer_lowered;
	s6 =	simm.s32 $_tile_overlayer_lowered  }
0x9b: {  	s22 =	simm.s32 $0x1BFF;
	s21 =	sshll.u32 s6, $0x1;
	s3 =	sadd.s32 s4, s19  }
0x9c: {  	s7 =	simm.s32 $0x0;
	s20 =	sshll.u32 s5, $0x1;
	s5 =	sadd.s32 s21, s3  }
0x9d: {  	[timem:s7], [sflag:s22] =	dma.local [hbm:s5], s20  }
0x9e: {  	_ =	swait.ge [sflag:s22], s20  }
0x9f: {  	s4 =	ssub.s32 $0x0, s20;
	[sflag:s22] =	ssyncset.done $0x0  }
0xa0: {  	[sflag:s22] =	ssyncadd.s32 s4;
	_ =	sdelay $0x1  }
0xa1: {  	s23 =	simm.s32 $0x1B8B  }
0xa2: {  	_ =	swait.ge [sflag:s23], $0x1  }
0xa3: {  	[sflag:s23] =	ssyncset.done $0x0  }
0xa4: {  	s25 =	simm.s32 $0x1B8E;
	s24 =	sld [smem:$0x3FFE];
	[sflag:s23] =	ssyncadd.s32 $0xFFFFFFFF  }
0xa5: {  	s26 =	simm.s32 $execute0_lowered;
	[smem:$0x3FD2] =	sst s25  }
0xa6: {  	s5 =	sshll.u32 s26, $0x1;
	_ =	strace $0x80000046;
	[dreg:$0x1] =	wrdreg $0xFFFFFFFF  }
0xa7: {  	s28 =	simm.s32 $_size_execute0_lowered;
	s3 =	sadd.s32 s3, s5;
	[dreg:$0x0] =	wrdreg $0x0  }
0xa8: {  	s5 =	sshll.u32 s28, $0x1;
	[dreg:$0x2] =	wrdreg s3  }
0xa9: {  	[dreg:$0x3] =	wrdreg s5  }
0xaa: {  	[dreg:$0x4] =	wrdreg $0xC0  }
0xab: {  	_ =	task [dreg:s7], $0x5FFFF  }
0xac: {  	[dreg:$0x1] =	wrdreg $0xFFFFFFFF  }
0xad: {  	[dreg:$0x0] =	wrdreg $0x60  }
0xae: {  	[dreg:$0x2] =	wrdreg s24  }
0xaf: {  	[dreg:$0x3] =	wrdreg s2  }
0xb0: {  	[dreg:$0x4] =	wrdreg $0x9  }
0xb1: {  	_ =	task.clear_ibuf [dreg:s7], $0x5FFFF;
	_ =	strace $0x90000046  }
0xb2: {  	s29 =	simm.s32 $0x9;
	_ =	strace $0x80000048  }
0xb3: {  	_ =	swait.ge [sflag:s29], $0x1  }
0xb4: {  	[sflag:s29] =	ssyncadd.s32 $0xFFFFFFFF  }
0xb5: {  	_ =	strace $0x90000048  }
0xb6: {  	_ =	sfence  }
0xb7: {  	s30 =	sld [smem:$0x0];
	_ =	sdelay $0x2  }
0xb8: {  	s31 =	sshll.u32 s1, $0xD;
	s1 =	sshrl.u32 s1, $0x2  }
0xb9: {  	s3 =	sand.u32 $0x4000, s31;
	s1 =	sadd.s32 s1, s30  }
0xba: {  	s0 =	sor.u32 s3, s0;
	s1 =	sshll.u32 s1, $0x11  }
0xbb: {  	s0 =	sor.u32 s1, s0  }
0xbc: {  	s0 =	sadd.s32 $0x8F2B, s0  }
0xbd: {  	[sflag:s0] =	ssyncadd.remote.s32 $0x1  }
0xbe: {  	_ =	sfence.sel $0xFFFF  }
0xbf: {  	[dreg:$0x0] =	wrdreg $0xFFFFFFFF;
	(pc) =	sbr.abs _section_cstart, $3  }
0xc0: {  	[dreg:$0x1] =	wrdreg $0xFFFFFFFF  }
0xc1: {  	_ =	task.clear_ibuf [dreg:s7], $0x2FFFF;
	_ =	strace $0x9FFFFFFF  }
0xc2: {  	(tm) =	ssettm $0x7FFFFFFF  }
0xc3: {  	_ =	shalt  }
tec
execute0_lowered:
.L_overlay_start_1:
0x0: {  	(tag) =	ssettag $0x1  }
0x1: {  	s1 =	srdreg.scid;
	s5 =	rddreg [dreg:$0x0]  }
0x2: {  	s0 =	stileid.u32;
	s2 =	rddreg [dreg:$0x1]  }
0x3: {  	s3 =	simm.s32 $0x0;
	s11 =	simm.s32 $0x11400;
	s12 =	simm.s32 $0x3400  }
0x4: {  	s13 =	simm.s32 $0x7400;
	s15 =	simm.s32 $0xB400;
	s14 =	simm.s32 $0x3  }
0x5: {  	s16 =	simm.s32 $0x5;
	s17 =	simm.s32 $0x6;
	s18 =	simm.s32 $0x7  }
0x6: {  	s19 =	simm.s32 $0x8;
	s20 =	simm.s32 $0x0;
	s6 =	sand.u32 $0x1, s1  }
0x7: {  	s29 =	sshll.u32 s0, $0x1;
	[smem:$0x7FF] =	sst s3;
	s10 =	smul.u32 $0x34000, s0  }
0x8: {  	s4 =	sor.u32 s6, s29;
	_ =	strace $0x80000047;
	[dreg:$0x3] =	wrdreg s11  }
0x9: {  	s8 =	ssub.s32 $0x2, s6;
	s30 =	smul.u32 $0x1A000, s6;
	[dreg:$0x4] =	wrdreg s12  }
0xa: {  	s11 =	simm.s32 $0xF400;
	s12 =	simm.s32 $0x1;
	[dreg:$0x5] =	wrdreg s13  }
0xb: {  	s13 =	simm.s32 $0x2;
	[dreg:$0x6] =	wrdreg s15;
	s4 =	smul.u32 $0x3400, s4  }
0xc: {  	s15 =	simm.s32 $0x4;
	s9 =	sshrl.u32 s8, $0x1;
	s31 =	sadd.s32 s10, s2  }
0xd: {  	s10 =	simm.s32 $0x80;
	s8 =	ssub.s32 s8, s9;
	s7 =	sshrl.u32 s4, $0x3  }
0xe: {  	s9 =	simm.s32 $0x9;
	s7 =	sadd.s32 s7, s5;
	s5 =	sadd.s32 $0xF42E00, s5  }
0xf: {  	s6 =	sadd.s32 $0xA00, s7;
	s7 =	smax.u32 s8, $0x1;
	s8 =	sadd.s32 s30, s31  }
.LBB2_1:
0x10: {  	[tilespmem:s3], [sflag:$0x9] =	stream.linear.gather [hbm4b:s6+s3], $0x3400, $0x38;
	[tilespmem:$0x13400] =	vst v63  }
0x11: {  	_ =	swait.ge [sflag:s9], $0x3400  }
0x12: {  	p0 =	por $0x0, $0x0;
	[sflag:s9] =	ssyncset.done $0x0  }
0x13: {  	s21 =	simm.s32 @p0 $0x5;
	[sflag:s9] =	ssyncadd.s32 $0xFFFFCC00  }
0x14: {  	_ =	swait.ge @p0 [sflag:s21], $0x4000  }
0x15: {  	s22 =	simm.s32 @p0 $0x3400;
	[sflag:s21] =	ssyncset.done @p0 $0x0  }
0x16: {  	s23 =	simm.s32 @p0 $0x80;
	[sflag:s21] =	ssyncadd.s32 @p0 $0xFFFFC000;
	s21 =	simm.s32 @p0 $0x0  }
0x17: {  	[tilespmem:s22], [sflag:$0x1] =	stream.indirect.gather @p0 [hbm4b:s5+s23], $0x40, s21, s23, $0xb8;
	[tilespmem:$0x13400] =	vst v63  }
0x18: {  	s24 =	simm.s32 @p0 $0x5400;
	s21 =	simm.s32 @p0 $0x6;
	s22 =	simm.s32 @p0 $0x80  }
0x19: {  	[tilespmem:s24], [sflag:$0x1] =	stream.indirect.gather @p0 [hbm4b:s5+s23], $0x40, s22, s23, $0xb8;
	[tilespmem:$0x13400] =	vst v63  }
0x1a: {  	_ =	swait.ge @p0 [sflag:s21], $0x4000  }
0x1b: {  	[sflag:s21] =	ssyncset.done @p0 $0x0  }
0x1c: {  	s22 =	simm.s32 @p0 $0x100;
	[sflag:s21] =	ssyncadd.s32 @p0 $0xFFFFC000;
	s21 =	simm.s32 @p0 $0x7400  }
0x1d: {  	[tilespmem:s21], [sflag:$0x2] =	stream.indirect.gather @p0 [hbm4b:s5+s23], $0x40, s22, s23, $0xb8;
	[tilespmem:$0x13400] =	vst v63  }
0x1e: {  	s24 =	simm.s32 @p0 $0x7;
	s21 =	simm.s32 @p0 $0x180;
	s22 =	simm.s32 @p0 $0x9400  }
0x1f: {  	[tilespmem:s22], [sflag:$0x2] =	stream.indirect.gather @p0 [hbm4b:s5+s23], $0x40, s21, s23, $0xb8;
	[tilespmem:$0x13400] =	vst v63  }
0x20: {  	_ =	swait.ge @p0 [sflag:s24], $0x4000  }
0x21: {  	[sflag:s24] =	ssyncset.done @p0 $0x0  }
0x22: {  	s21 =	simm.s32 @p0 $0x200;
	s22 =	simm.s32 @p0 $0xB400;
	[sflag:s24] =	ssyncadd.s32 @p0 $0xFFFFC000  }
0x23: {  	[tilespmem:s22], [sflag:$0x3] =	stream.indirect.gather @p0 [hbm4b:s5+s23], $0x40, s21, s23, $0xb8;
	[tilespmem:$0x13400] =	vst v63  }
0x24: {  	s24 =	simm.s32 @p0 $0x8;
	s21 =	simm.s32 @p0 $0x280;
	s22 =	simm.s32 @p0 $0xD400  }
0x25: {  	[tilespmem:s22], [sflag:$0x3] =	stream.indirect.gather @p0 [hbm4b:s5+s23], $0x40, s21, s23, $0xb8;
	[tilespmem:$0x13400] =	vst v63  }
0x26: {  	_ =	swait.ge @p0 [sflag:s24], $0x4000  }
0x27: {  	s21 =	simm.s32 @!p0 $0x3400;
	[sflag:s24] =	ssyncset.done @p0 $0x0  }
0x28: {  	s22 =	simm.s32 @!p0 $0x0;
	s23 =	simm.s32 @!p0 $0x80;
	[sflag:s24] =	ssyncadd.s32 @p0 $0xFFFFC000  }
0x29: {  	[tilespmem:s21], [sflag:$0x1] =	stream.indirect.gather @!p0 [hbm4b:s5+s23], $0x40, s22, s23, $0xb8;
	[tilespmem:$0x13400] =	vst v63  }
0x2a: {  	s21 =	simm.s32 @!p0 $0x80;
	s22 =	simm.s32 @!p0 $0x5400  }
0x2b: {  	[tilespmem:s22], [sflag:$0x1] =	stream.indirect.gather @!p0 [hbm4b:s5+s23], $0x40, s21, s23, $0xb8;
	[tilespmem:$0x13400] =	vst v63  }
0x2c: {  	s21 =	simm.s32 @!p0 $0x100;
	s22 =	simm.s32 @!p0 $0x7400  }
0x2d: {  	[tilespmem:s22], [sflag:$0x2] =	stream.indirect.gather @!p0 [hbm4b:s5+s23], $0x40, s21, s23, $0xb8;
	[tilespmem:$0x13400] =	vst v63  }
0x2e: {  	s21 =	simm.s32 @!p0 $0x180;
	s22 =	simm.s32 @!p0 $0x9400  }
0x2f: {  	[tilespmem:s22], [sflag:$0x2] =	stream.indirect.gather @!p0 [hbm4b:s5+s23], $0x40, s21, s23, $0xb8;
	[tilespmem:$0x13400] =	vst v63  }
0x30: {  	s21 =	simm.s32 @!p0 $0x200;
	s22 =	simm.s32 @!p0 $0xB400  }
0x31: {  	[tilespmem:s22], [sflag:$0x3] =	stream.indirect.gather @!p0 [hbm4b:s5+s23], $0x40, s21, s23, $0xb8;
	[tilespmem:$0x13400] =	vst v63  }
0x32: {  	s24 =	simm.s32 @!p0 $0xD400;
	s21 =	simm.s32 $0x300;
	s22 =	simm.s32 @!p0 $0x280  }
0x33: {  	[tilespmem:s24], [sflag:$0x3] =	stream.indirect.gather @!p0 [hbm4b:s5+s23], $0x40, s22, s23, $0xb8;
	[tilespmem:$0x13400] =	vst v63  }
0x34: {  	s21 =	simm.s32 @!p0 $0x300  }
0x35: {  	[tilespmem:s11], [sflag:$0x4] =	stream.indirect.gather [hbm4b:s5+s10], $0x40, s21, s10, $0xb8;
	[tilespmem:$0x13400] =	vst v63  }
0x36: {  	s28 =	simm.s32 $0x380;
	s26 =	rddreg [dreg:$0x3]  }
0x37: {  	[tilespmem:s26], [sflag:$0x4] =	stream.indirect.gather [hbm4b:s5+s10], $0x40, s28, s10, $0xb8;
	[tilespmem:$0x13400] =	vst v63  }
0x38: {  	_ =	swait.ge [sflag:s12], $0x2000  }
0x39: {  	[sflag:s12] =	ssyncset.done $0x0  }
0x3a: {  	[sflag:s12] =	ssyncadd.s32 $0xFFFFE000  }
0x3b: {  	_ =	swait.ge [sflag:s12], $0x2000  }
0x3c: {  	[sflag:s12] =	ssyncset.done $0x0  }
0x3d: {  	s29 =	rddreg [dreg:$0x4];
	[sflag:s12] =	ssyncadd.s32 $0xFFFFE000  }
0x3e: {  	[hbm4b:s8+s3] =	stream.linear.scatter [tilespmem:s29], [sflag:$0x5], $0x4000, $0x38;
	[tilespmem:$0x13400] =	vst v63  }
0x3f: {  	s22 =	simm.s32 @p0 $0x100;
	_ =	swait.ge [sflag:s13], $0x2000  }
0x40: {  	s22 =	simm.s32 @!p0 $0x100;
	[sflag:s13] =	ssyncset.done $0x0  }
0x41: {  	s22 =	sadd.s32 s4, s22;
	[sflag:s13] =	ssyncadd.s32 $0xFFFFE000  }
0x42: {  	s22 =	sshll.u32 s22, $0x3;
	_ =	swait.ge [sflag:s13], $0x2000  }
0x43: {  	s22 =	sand.u32 $0x1FFFE800, s22;
	[sflag:s13] =	ssyncset.done $0x0  }
0x44: {  	s22 =	sadd.s32 s2, s22;
	s30 =	rddreg [dreg:$0x5];
	[sflag:s13] =	ssyncadd.s32 $0xFFFFE000  }
0x45: {  	[hbm4b:s22+s3] =	stream.linear.scatter [tilespmem:s30], [sflag:$0x6], $0x4000, $0x38;
	[tilespmem:$0x13400] =	vst v63  }
0x46: {  	s22 =	simm.s32 @p0 $0x200;
	_ =	swait.ge [sflag:s14], $0x2000  }
0x47: {  	s22 =	simm.s32 @!p0 $0x200;
	[sflag:s14] =	ssyncset.done $0x0  }
0x48: {  	s22 =	sadd.s32 s4, s22;
	[sflag:s14] =	ssyncadd.s32 $0xFFFFE000  }
0x49: {  	s22 =	sshll.u32 s22, $0x3;
	_ =	swait.ge [sflag:s14], $0x2000  }
0x4a: {  	s22 =	sand.u32 $0x1FFFF000, s22;
	[sflag:s14] =	ssyncset.done $0x0  }
0x4b: {  	s31 =	rddreg [dreg:$0x6];
	s22 =	sadd.s32 s2, s22;
	[sflag:s14] =	ssyncadd.s32 $0xFFFFE000  }
0x4c: {  	[hbm4b:s22+s3] =	stream.linear.scatter [tilespmem:s31], [sflag:$0x7], $0x4000, $0x38;
	[tilespmem:$0x13400] =	vst v63  }
0x4d: {  	s21 =	sadd.s32 s4, s21;
	_ =	swait.ge [sflag:s15], $0x2000  }
0x4e: {  	s23 =	simm.s32 $0x1000;
	s21 =	sshll.u32 s21, $0x3;
	[sflag:s15] =	ssyncset.done $0x0  }
0x4f: {  	s24 =	simm.s32 $0x2000;
	s21 =	sand.u32 $0x1FFFF800, s21;
	[sflag:s15] =	ssyncadd.s32 $0xFFFFE000  }
0x50: {  	s26 =	sadd.s32 s2, s21;
	s21 =	simm.s32 $0x700;
	_ =	swait.ge [sflag:s15], $0x2000  }
0x51: {  	p0 =	por $0x1, $0x1;
	s22 =	sadd.s32 $0x2000, s8;
	[sflag:s15] =	ssyncset.done $0x0  }
.LBB2_2:
0x52: {  	s28 =	simm.s32 @p0 $0x5;
	[sflag:s15] =	ssyncadd.s32 $0xFFFFE000  }
0x53: {  	[hbm4b:s26+s3] =	stream.linear.scatter [tilespmem:s11], [sflag:$0x8], $0x4000, $0x38;
	[tilespmem:$0x13400] =	vst v63  }
0x54: {  	_ =	swait.ge @p0 [sflag:s28], $0x4000  }
0x55: {  	s30 =	simm.s32 @p0 $0x80;
	[sflag:s28] =	ssyncset.done @p0 $0x0  }
0x56: {  	s26 =	simm.s32 @p0 $0x3400;
	[sflag:s28] =	ssyncadd.s32 @p0 $0xFFFFC000;
	s28 =	sshra.s32 @p0 s23, $0x2  }
0x57: {  	[tilespmem:s26], [sflag:$0x1] =	stream.indirect.gather @p0 [hbm4b:s5+s30], $0x40, s28, s30, $0xb8;
	[tilespmem:$0x13400] =	vst v63  }
0x58: {  	s29 =	simm.s32 @p0 $0x6;
	s31 =	simm.s32 @p0 $0x5400;
	s26 =	sadd.s32 @p0 $0x80, s28  }
0x59: {  	[tilespmem:s31], [sflag:$0x1] =	stream.indirect.gather @p0 [hbm4b:s5+s30], $0x40, s26, s30, $0xb8;
	[tilespmem:$0x13400] =	vst v63  }
0x5a: {  	_ =	swait.ge @p0 [sflag:s29], $0x4000  }
0x5b: {  	[sflag:s29] =	ssyncset.done @p0 $0x0  }
0x5c: {  	s1 =	sadd.s32 @p0 $0x100, s28;
	[sflag:s29] =	ssyncadd.s32 @p0 $0xFFFFC000;
	s29 =	simm.s32 @p0 $0x7400  }
0x5d: {  	[tilespmem:s29], [sflag:$0x2] =	stream.indirect.gather @p0 [hbm4b:s5+s30], $0x40, s1, s30, $0xb8;
	[tilespmem:$0x13400] =	vst v63  }
0x5e: {  	s26 =	sadd.s32 @p0 $0x180, s28;
	s1 =	simm.s32 @p0 $0x9400;
	s29 =	simm.s32 @p0 $0x7  }
0x5f: {  	[tilespmem:s1], [sflag:$0x2] =	stream.indirect.gather @p0 [hbm4b:s5+s30], $0x40, s26, s30, $0xb8;
	[tilespmem:$0x13400] =	vst v63  }
0x60: {  	_ =	swait.ge @p0 [sflag:s29], $0x4000  }
0x61: {  	[sflag:s29] =	ssyncset.done @p0 $0x0  }
0x62: {  	s31 =	sadd.s32 @p0 $0x200, s28;
	s1 =	simm.s32 @p0 $0xB400;
	[sflag:s29] =	ssyncadd.s32 @p0 $0xFFFFC000  }
0x63: {  	[tilespmem:s1], [sflag:$0x3] =	stream.indirect.gather @p0 [hbm4b:s5+s30], $0x40, s31, s30, $0xb8;
	[tilespmem:$0x13400] =	vst v63  }
0x64: {  	s28 =	sadd.s32 @p0 $0x280, s28;
	s26 =	simm.s32 @p0 $0x8;
	s1 =	simm.s32 @p0 $0xD400  }
0x65: {  	[tilespmem:s1], [sflag:$0x3] =	stream.indirect.gather @p0 [hbm4b:s5+s30], $0x40, s28, s30, $0xb8;
	[tilespmem:$0x13400] =	vst v63  }
0x66: {  	_ =	swait.ge @p0 [sflag:s26], $0x4000  }
0x67: {  	s1 =	simm.s32 @!p0 $0x3400;
	[sflag:s26] =	ssyncset.done @p0 $0x0  }
0x68: {  	s28 =	simm.s32 @!p0 $0x80;
	[sflag:s26] =	ssyncadd.s32 @p0 $0xFFFFC000;
	s26 =	sshra.s32 @!p0 s23, $0x2  }
0x69: {  	[tilespmem:s1], [sflag:$0x1] =	stream.indirect.gather @!p0 [hbm4b:s5+s28], $0x40, s26, s28, $0xb8;
	[tilespmem:$0x13400] =	vst v63  }
0x6a: {  	s29 =	simm.s32 @!p0 $0x5400;
	s1 =	sadd.s32 @!p0 $0x80, s26  }
0x6b: {  	[tilespmem:s29], [sflag:$0x1] =	stream.indirect.gather @!p0 [hbm4b:s5+s28], $0x40, s1, s28, $0xb8;
	[tilespmem:$0x13400] =	vst v63  }
0x6c: {  	s1 =	simm.s32 @!p0 $0x100;
	s29 =	simm.s32 @!p0 $0x7400  }
0x6d: {  	[tilespmem:s29], [sflag:$0x2] =	stream.indirect.gather @!p0 [hbm4b:s5+s28], $0x40, s1, s28, $0xb8;
	[tilespmem:$0x13400] =	vst v63  }
0x6e: {  	s30 =	sadd.s32 @!p0 $0x280, s26;
	s26 =	sadd.s32 @!p0 $0x180, s26;
	s1 =	simm.s32 @!p0 $0x9400  }
0x6f: {  	[tilespmem:s1], [sflag:$0x2] =	stream.indirect.gather @!p0 [hbm4b:s5+s28], $0x40, s26, s28, $0xb8;
	[tilespmem:$0x13400] =	vst v63  }
0x70: {  	s1 =	simm.s32 @!p0 $0x200;
	s26 =	simm.s32 @!p0 $0xB400  }
0x71: {  	[tilespmem:s26], [sflag:$0x3] =	stream.indirect.gather @!p0 [hbm4b:s5+s28], $0x40, s1, s28, $0xb8;
	[tilespmem:$0x13400] =	vst v63  }
0x72: {  	s1 =	simm.s32 @!p0 $0xD400  }
0x73: {  	[tilespmem:s1], [sflag:$0x3] =	stream.indirect.gather @!p0 [hbm4b:s5+s28], $0x40, s30, s28, $0xb8;
	[tilespmem:$0x13400] =	vst v63  }
0x74: {  	s1 =	smov.u32 s21  }
0x75: {  	s29 =	sshra.s32 s23, $0x2;
	s1 =	simm.s32 @!p0 $0x300  }
0x76: {  	[tilespmem:s11], [sflag:$0x4] =	stream.indirect.gather [hbm4b:s5+s10], $0x40, s1, s10, $0xb8;
	[tilespmem:$0x13400] =	vst v63  }
0x77: {  	s31 =	sadd.s32 $0x380, s29;
	s30 =	rddreg [dreg:$0x3]  }
0x78: {  	[tilespmem:s30], [sflag:$0x4] =	stream.indirect.gather [hbm4b:s5+s10], $0x40, s31, s10, $0xb8;
	[tilespmem:$0x13400] =	vst v63  }
0x79: {  	_ =	swait.ge [sflag:s12], $0x2000  }
0x7a: {  	[sflag:s12] =	ssyncset.done $0x0  }
0x7b: {  	[sflag:s12] =	ssyncadd.s32 $0xFFFFE000  }
0x7c: {  	s1 =	sadd.s32 s4, s1;
	_ =	swait.ge [sflag:s12], $0x2000  }
0x7d: {  	s1 =	sshll.u32 s1, $0x3;
	[sflag:s12] =	ssyncset.done $0x0  }
0x7e: {  	s1 =	sand.u32 $0x1FFFF800, s1;
	s29 =	rddreg [dreg:$0x4];
	[sflag:s12] =	ssyncadd.s32 $0xFFFFE000  }
0x7f: {  	[hbm4b:s22+s3] =	stream.linear.scatter [tilespmem:s29], [sflag:$0x5], $0x4000, $0x38;
	[tilespmem:$0x13400] =	vst v63  }
0x80: {  	s26 =	sadd.s32 s2, s1;
	s1 =	sadd.s32 @p0 $0xFFFFFE00, s21;
	_ =	swait.ge [sflag:s13], $0x2000  }
0x81: {  	s1 =	simm.s32 @!p0 $0x100;
	[sflag:s13] =	ssyncset.done $0x0  }
0x82: {  	s1 =	sadd.s32 s4, s1;
	[sflag:s13] =	ssyncadd.s32 $0xFFFFE000  }
0x83: {  	s1 =	sshll.u32 s1, $0x3;
	_ =	swait.ge [sflag:s13], $0x2000  }
0x84: {  	s1 =	sand.u32 $0x1FFFE800, s1;
	[sflag:s13] =	ssyncset.done $0x0  }
0x85: {  	s1 =	sadd.s32 s2, s1;
	s30 =	rddreg [dreg:$0x5];
	[sflag:s13] =	ssyncadd.s32 $0xFFFFE000  }
0x86: {  	[hbm4b:s1+s3] =	stream.linear.scatter [tilespmem:s30], [sflag:$0x6], $0x4000, $0x38;
	[tilespmem:$0x13400] =	vst v63  }
0x87: {  	s1 =	sadd.s32 @p0 $0xFFFFFF00, s21;
	_ =	swait.ge [sflag:s14], $0x2000  }
0x88: {  	s1 =	simm.s32 @!p0 $0x200;
	[sflag:s14] =	ssyncset.done $0x0  }
0x89: {  	s25 =	smov.u32 s24;
	s1 =	sadd.s32 s4, s1;
	[sflag:s14] =	ssyncadd.s32 $0xFFFFE000  }
0x8a: {  	s24 =	sadd.s32 $0x1000, s24;
	s1 =	sshll.u32 s1, $0x3;
	_ =	swait.ge [sflag:s14], $0x2000  }
0x8b: {  	p1 =	sne.s32 s24, $0xD000;
	s1 =	sand.u32 $0x1FFFF000, s1;
	[sflag:s14] =	ssyncset.done $0x0  }
0x8c: {  	s31 =	rddreg [dreg:$0x6];
	s1 =	sadd.s32 s2, s1;
	[sflag:s14] =	ssyncadd.s32 $0xFFFFE000  }
0x8d: {  	[hbm4b:s1+s3] =	stream.linear.scatter [tilespmem:s31], [sflag:$0x7], $0x4000, $0x38;
	[tilespmem:$0x13400] =	vst v63  }
.Ltmp0:
0x8e: {  	_ =	swait.ge [sflag:s15], $0x2000;
	(pc) =	sbr.rel @p1 .LBB2_2-.Ltmp0, $4  }
0x8f: {  	[sflag:s15] =	ssyncset.done $0x0  }
0x90: {  	[sflag:s15] =	ssyncadd.s32 $0xFFFFE000  }
0x91: {  	s23 =	smov.u32 s25;
	s22 =	sadd.s32 $0x2000, s22;
	_ =	swait.ge [sflag:s15], $0x2000  }
0x92: {  	s21 =	sadd.s32 $0x400, s21;
	p0 =	sne.s32 s23, $0x0;
	[sflag:s15] =	ssyncset.done $0x0  }
0x93: {  	s1 =	simm.s32 @p0 $0x5;
	[sflag:s15] =	ssyncadd.s32 $0xFFFFE000  }
0x94: {  	[hbm4b:s26+s3] =	stream.linear.scatter [tilespmem:s11], [sflag:$0x8], $0x4000, $0x38;
	[tilespmem:$0x13400] =	vst v63  }
0x95: {  	_ =	swait.ge @p0 [sflag:s1], $0x4000  }
0x96: {  	s24 =	simm.s32 @p0 $0x3400;
	[sflag:s1] =	ssyncset.done @p0 $0x0  }
0x97: {  	s25 =	simm.s32 @p0 $0x80;
	[sflag:s1] =	ssyncadd.s32 @p0 $0xFFFFC000;
	s1 =	sshra.s32 @p0 s23, $0x2  }
0x98: {  	[tilespmem:s24], [sflag:$0x1] =	stream.indirect.gather @p0 [hbm4b:s5+s25], $0x40, s1, s25, $0xb8;
	[tilespmem:$0x13400] =	vst v63  }
0x99: {  	s28 =	simm.s32 @p0 $0x5400;
	s24 =	simm.s32 @p0 $0x6;
	s26 =	sadd.s32 @p0 $0x80, s1  }
0x9a: {  	[tilespmem:s28], [sflag:$0x1] =	stream.indirect.gather @p0 [hbm4b:s5+s25], $0x40, s26, s25, $0xb8;
	[tilespmem:$0x13400] =	vst v63  }
0x9b: {  	_ =	swait.ge @p0 [sflag:s24], $0x4000  }
0x9c: {  	[sflag:s24] =	ssyncset.done @p0 $0x0  }
0x9d: {  	s26 =	sadd.s32 @p0 $0x100, s1;
	[sflag:s24] =	ssyncadd.s32 @p0 $0xFFFFC000;
	s24 =	simm.s32 @p0 $0x7400  }
0x9e: {  	[tilespmem:s24], [sflag:$0x2] =	stream.indirect.gather @p0 [hbm4b:s5+s25], $0x40, s26, s25, $0xb8;
	[tilespmem:$0x13400] =	vst v63  }
0x9f: {  	s28 =	simm.s32 @p0 $0x7;
	s24 =	sadd.s32 @p0 $0x180, s1;
	s26 =	simm.s32 @p0 $0x9400  }
0xa0: {  	[tilespmem:s26], [sflag:$0x2] =	stream.indirect.gather @p0 [hbm4b:s5+s25], $0x40, s24, s25, $0xb8;
	[tilespmem:$0x13400] =	vst v63  }
0xa1: {  	_ =	swait.ge @p0 [sflag:s28], $0x4000  }
0xa2: {  	[sflag:s28] =	ssyncset.done @p0 $0x0  }
0xa3: {  	s24 =	sadd.s32 @p0 $0x200, s1;
	s26 =	simm.s32 @p0 $0xB400;
	[sflag:s28] =	ssyncadd.s32 @p0 $0xFFFFC000  }
0xa4: {  	[tilespmem:s26], [sflag:$0x3] =	stream.indirect.gather @p0 [hbm4b:s5+s25], $0x40, s24, s25, $0xb8;
	[tilespmem:$0x13400] =	vst v63  }
0xa5: {  	s1 =	sadd.s32 @p0 $0x280, s1;
	s24 =	simm.s32 @p0 $0xD400;
	s26 =	simm.s32 @p0 $0x8  }
0xa6: {  	[tilespmem:s24], [sflag:$0x3] =	stream.indirect.gather @p0 [hbm4b:s5+s25], $0x40, s1, s25, $0xb8;
	[tilespmem:$0x13400] =	vst v63  }
0xa7: {  	_ =	swait.ge @p0 [sflag:s26], $0x4000  }
0xa8: {  	s1 =	simm.s32 @!p0 $0x3400;
	[sflag:s26] =	ssyncset.done @p0 $0x0  }
0xa9: {  	s24 =	sshra.s32 @!p0 s23, $0x2;
	s25 =	simm.s32 @!p0 $0x80;
	[sflag:s26] =	ssyncadd.s32 @p0 $0xFFFFC000  }
0xaa: {  	[tilespmem:s1], [sflag:$0x1] =	stream.indirect.gather @!p0 [hbm4b:s5+s25], $0x40, s24, s25, $0xb8;
	[tilespmem:$0x13400] =	vst v63  }
0xab: {  	s26 =	simm.s32 @!p0 $0x5400;
	s1 =	sadd.s32 @!p0 $0x80, s24  }
0xac: {  	[tilespmem:s26], [sflag:$0x1] =	stream.indirect.gather @!p0 [hbm4b:s5+s25], $0x40, s1, s25, $0xb8;
	[tilespmem:$0x13400] =	vst v63  }
0xad: {  	s1 =	simm.s32 @!p0 $0x100;
	s26 =	simm.s32 @!p0 $0x7400  }
0xae: {  	[tilespmem:s26], [sflag:$0x2] =	stream.indirect.gather @!p0 [hbm4b:s5+s25], $0x40, s1, s25, $0xb8;
	[tilespmem:$0x13400] =	vst v63  }
0xaf: {  	s1 =	sadd.s32 @!p0 $0x180, s24;
	s26 =	simm.s32 @!p0 $0x9400  }
0xb0: {  	[tilespmem:s26], [sflag:$0x2] =	stream.indirect.gather @!p0 [hbm4b:s5+s25], $0x40, s1, s25, $0xb8;
	[tilespmem:$0x13400] =	vst v63  }
0xb1: {  	s1 =	simm.s32 @!p0 $0x200;
	s26 =	simm.s32 @!p0 $0xB400  }
0xb2: {  	[tilespmem:s26], [sflag:$0x3] =	stream.indirect.gather @!p0 [hbm4b:s5+s25], $0x40, s1, s25, $0xb8;
	[tilespmem:$0x13400] =	vst v63  }
0xb3: {  	s1 =	sadd.s32 @!p0 $0x280, s24;
	s24 =	simm.s32 @!p0 $0xD400  }
0xb4: {  	[tilespmem:s24], [sflag:$0x3] =	stream.indirect.gather @!p0 [hbm4b:s5+s25], $0x40, s1, s25, $0xb8;
	[tilespmem:$0x13400] =	vst v63  }
0xb5: {  	s1 =	smov.u32 s21  }
0xb6: {  	s26 =	sshra.s32 s23, $0x2;
	s1 =	simm.s32 @!p0 $0x300  }
0xb7: {  	[tilespmem:s11], [sflag:$0x4] =	stream.indirect.gather [hbm4b:s5+s10], $0x40, s1, s10, $0xb8;
	[tilespmem:$0x13400] =	vst v63  }
0xb8: {  	s28 =	rddreg [dreg:$0x3];
	s23 =	sadd.s32 $0x380, s26  }
0xb9: {  	[tilespmem:s28], [sflag:$0x4] =	stream.indirect.gather [hbm4b:s5+s10], $0x40, s23, s10, $0xb8;
	[tilespmem:$0x13400] =	vst v63  }
0xba: {  	_ =	swait.ge [sflag:s12], $0x2000  }
0xbb: {  	[sflag:s12] =	ssyncset.done $0x0  }
0xbc: {  	[sflag:s12] =	ssyncadd.s32 $0xFFFFE000  }
0xbd: {  	_ =	swait.ge [sflag:s12], $0x2000  }
0xbe: {  	[sflag:s12] =	ssyncset.done $0x0  }
0xbf: {  	s29 =	rddreg [dreg:$0x4];
	[sflag:s12] =	ssyncadd.s32 $0xFFFFE000  }
0xc0: {  	[hbm4b:s22+s3] =	stream.linear.scatter [tilespmem:s29], [sflag:$0x5], $0x4000, $0x38;
	[tilespmem:$0x13400] =	vst v63  }
0xc1: {  	s22 =	sadd.s32 @p0 $0xFFFFFE00, s21;
	_ =	swait.ge [sflag:s13], $0x2000  }
0xc2: {  	s22 =	simm.s32 @!p0 $0x100;
	[sflag:s13] =	ssyncset.done $0x0  }
0xc3: {  	s22 =	sadd.s32 s4, s22;
	[sflag:s13] =	ssyncadd.s32 $0xFFFFE000  }
0xc4: {  	s22 =	sshll.u32 s22, $0x3;
	_ =	swait.ge [sflag:s13], $0x2000  }
0xc5: {  	s22 =	sand.u32 $0x1FFFE800, s22;
	[sflag:s13] =	ssyncset.done $0x0  }
0xc6: {  	s30 =	rddreg [dreg:$0x5];
	s22 =	sadd.s32 s2, s22;
	[sflag:s13] =	ssyncadd.s32 $0xFFFFE000  }
0xc7: {  	[hbm4b:s22+s3] =	stream.linear.scatter [tilespmem:s30], [sflag:$0x6], $0x4000, $0x38;
	[tilespmem:$0x13400] =	vst v63  }
0xc8: {  	s21 =	sadd.s32 @p0 $0xFFFFFF00, s21;
	_ =	swait.ge [sflag:s14], $0x2000  }
0xc9: {  	s21 =	simm.s32 @!p0 $0x200;
	[sflag:s14] =	ssyncset.done $0x0  }
0xca: {  	s21 =	sadd.s32 s4, s21;
	[sflag:s14] =	ssyncadd.s32 $0xFFFFE000  }
0xcb: {  	s21 =	sshll.u32 s21, $0x3;
	_ =	swait.ge [sflag:s14], $0x2000  }
0xcc: {  	s21 =	sand.u32 $0x1FFFF000, s21;
	[sflag:s14] =	ssyncset.done $0x0  }
0xcd: {  	s21 =	sadd.s32 s2, s21;
	s31 =	rddreg [dreg:$0x6];
	[sflag:s14] =	ssyncadd.s32 $0xFFFFE000  }
0xce: {  	[hbm4b:s21+s3] =	stream.linear.scatter [tilespmem:s31], [sflag:$0x7], $0x4000, $0x38;
	[tilespmem:$0x13400] =	vst v63  }
0xcf: {  	_ =	swait.ge [sflag:s15], $0x2000  }
0xd0: {  	[sflag:s15] =	ssyncset.done $0x0  }
0xd1: {  	s1 =	sadd.s32 s4, s1;
	[sflag:s15] =	ssyncadd.s32 $0xFFFFE000  }
0xd2: {  	s1 =	sshll.u32 s1, $0x3;
	_ =	swait.ge [sflag:s15], $0x2000  }
0xd3: {  	s1 =	sand.u32 $0x1FFFF800, s1;
	[sflag:s15] =	ssyncset.done $0x0  }
0xd4: {  	s1 =	sadd.s32 s2, s1;
	[sflag:s15] =	ssyncadd.s32 $0xFFFFE000  }
0xd5: {  	[hbm4b:s1+s3] =	stream.linear.scatter [tilespmem:s11], [sflag:$0x8], $0x4000, $0x38;
	[tilespmem:$0x13400] =	vst v63  }
0xd6: {  	_ =	swait.ge [sflag:s16], $0x4000  }
0xd7: {  	[sflag:s16] =	ssyncset.done $0x0  }
0xd8: {  	[sflag:s16] =	ssyncadd.s32 $0xFFFFC000  }
0xd9: {  	_ =	swait.ge [sflag:s17], $0x4000  }
0xda: {  	[sflag:s17] =	ssyncset.done $0x0  }
0xdb: {  	s20 =	sadd.s32 $0x1, s20;
	[sflag:s17] =	ssyncadd.s32 $0xFFFFC000  }
0xdc: {  	p0 =	sne.s32 s20, s7;
	_ =	swait.ge [sflag:s18], $0x4000  }
.Ltmp1:
0xdd: {  	[sflag:s18] =	ssyncset.done $0x0;
	(pc) =	sbr.rel @p0 .LBB2_1-.Ltmp1, $4  }
0xde: {  	[sflag:s18] =	ssyncadd.s32 $0xFFFFC000  }
0xdf: {  	_ =	swait.ge [sflag:s19], $0x4000  }
0xe0: {  	[sflag:s19] =	ssyncset.done $0x0  }
0xe1: {  	[sflag:s19] =	ssyncadd.s32 $0xFFFFC000  }
0xe2: {  	_ =	sfence.sel $0x180000  }
0xe3: {  	[bflag:$0x0] =	sbarrier.arrive $0xFFFF  }
0xe4: {  	_ =	strace $0x90000047  }
0xe5: {  	[bflag:$0x2] =	sbarrier.arrive $0xFFFF  }
0xe6: {  	p0 =	sne.s32 s0, $0x0;
	s0 =	rddreg [dreg:$0x2]  }
0xe7: {  	s0 =	sadd.s32 @!p0 $0x100000, s0  }
0xe8: {  	[sflag:s0] =	ssyncadd.tile.s32 @!p0 $0x1;
	_ =	shalt  }
.Lfunc_end2:
_tile_overlayer_lowered:
.L_overlay_start_2:
0xe9: {  	(tag) =	ssettag $0x2  }
0xea: {  	s0 =	rddreg [dreg:$0x0];
	s2 =	stileid.u32  }
0xeb: {  	s1 =	rddreg [dreg:$0x1];
	p0 =	sne.s32 s2, $0x0  }
0xec: {  	s3 =	rddreg [dreg:$0x2];
	[bflag:$0x3] =	sbarrier.arrive $0xFFFF;
	s2 =	simm.s32 @!p0 $0x1C09  }
0xed: {  	[timem:s3], [sflag:s2] =	dma.local @!p0 [hbm:s0], s1  }
0xee: {  	s0 =	simm.s32 @!p0 $0x9  }
0xef: {  	_ =	swait.ge @!p0 [sflag:s0], s1  }
0xf0: {  	s1 =	ssub.s32 @!p0 $0x0, s1;
	[sflag:s0] =	ssyncset.done @!p0 $0x0  }
0xf1: {  	[sflag:s0] =	ssyncadd.s32 @!p0 s1  }
0xf2: {  	[bflag:$0x3] =	sbarrier.arrive $0xFFFF  }
0xf3: {  	_ =	shalt  }

// kernel: sparse-core-data-format-call.cloned.1.call-start
scs
called_computation_lowered:
.L_overlay_start_0:
0x0: {  	s2 =	sld [smem:$0x3FD9]  }
0x1: {  	s3 =	sld [smem:$0x3FFE];
	_ =	sdelay $0x1  }
0x2: {  	s1 =	srdreg.scid  }
0x3: {  	s0 =	sand.u32 $0x1, s1  }
0x4: {  	s18 =	sshll.u32 s0, $0xA;
	s2 =	sadd.s32 s3, s2  }
0x5: {  	s2 =	sadd.s32 s2, s18  }
0x6: {  	[smem:$0x3FC6] =	sst s2  }
0x7: {  	_ = 	snop  }
0x8: {  	s2 =	sld [smem:$0x3FD0];
	(tm) =	ssettm $0x1  }
0x9: {  	s19 =	sld [smem:$0x3FFB];
	_ =	sdelay $0x3  }
0xa: {  	_ =	strace s19  }
0xb: {  	s3 =	sld [smem:$0x3FFC];
	_ =	sdelay $0x3  }
0xc: {  	_ =	strace s3  }
0xd: {  	s3 =	sld [smem:$0x3FFD];
	_ =	sdelay $0x3  }
0xe: {  	_ =	strace s3  }
0xf: {  	_ =	strace $0x8FFFFFFF  }
0x10: {  	s20 =	sld [smem:$0x3FDB];
	_ =	sdelay $0x1  }
0x11: {  	s4 =	simm.s32 $_scs_section_size  }
0x12: {  	s5 =	simm.s32 $_size__tile_overlayer_lowered;
	s6 =	simm.s32 $_tile_overlayer_lowered  }
0x13: {  	s23 =	simm.s32 $0x1BFF;
	s22 =	sshll.u32 s6, $0x1;
	s3 =	sadd.s32 s4, s20  }
0x14: {  	s7 =	simm.s32 $0x0;
	s21 =	sshll.u32 s5, $0x1;
	s5 =	sadd.s32 s22, s3  }
0x15: {  	[timem:s7], [sflag:s23] =	dma.local [hbm:s5], s21  }
0x16: {  	_ =	swait.ge [sflag:s23], s21  }
0x17: {  	s4 =	ssub.s32 $0x0, s21;
	[sflag:s23] =	ssyncset.done $0x0  }
0x18: {  	[sflag:s23] =	ssyncadd.s32 s4;
	_ =	sdelay $0x1  }
0x19: {  	s24 =	simm.s32 $0x1B8B  }
0x1a: {  	_ =	swait.ge [sflag:s24], $0x1  }
0x1b: {  	[sflag:s24] =	ssyncset.done $0x0  }
0x1c: {  	s26 =	simm.s32 $0x1B8E;
	s25 =	sld [smem:$0x3FFE];
	[sflag:s24] =	ssyncadd.s32 $0xFFFFFFFF  }
0x1d: {  	s27 =	simm.s32 $execute0_lowered;
	[smem:$0x3FD2] =	sst s26  }
0x1e: {  	s5 =	sshll.u32 s27, $0x1;
	_ =	strace $0x80000049;
	[dreg:$0x1] =	wrdreg $0xFFFFFFFF  }
0x1f: {  	s28 =	simm.s32 $_size_execute0_lowered;
	s3 =	sadd.s32 s3, s5;
	[dreg:$0x0] =	wrdreg $0x0  }
0x20: {  	s5 =	sshll.u32 s28, $0x1;
	[dreg:$0x2] =	wrdreg s3  }
0x21: {  	[dreg:$0x3] =	wrdreg s5  }
0x22: {  	[dreg:$0x4] =	wrdreg $0xC0  }
0x23: {  	_ =	task [dreg:s7], $0x5FFFF  }
0x24: {  	[dreg:$0x1] =	wrdreg $0xFFFFFFFF  }
0x25: {  	[dreg:$0x0] =	wrdreg $0x60  }
0x26: {  	[dreg:$0x2] =	wrdreg s25  }
0x27: {  	[dreg:$0x3] =	wrdreg s2  }
0x28: {  	[dreg:$0x4] =	wrdreg $0x9  }
0x29: {  	_ =	task.clear_ibuf [dreg:s7], $0x5FFFF;
	_ =	strace $0x90000049  }
0x2a: {  	s29 =	simm.s32 $0x9;
	_ =	strace $0x8000004B  }
0x2b: {  	_ =	swait.ge [sflag:s29], $0x1  }
0x2c: {  	[sflag:s29] =	ssyncadd.s32 $0xFFFFFFFF  }
0x2d: {  	_ =	strace $0x9000004B  }
0x2e: {  	_ =	sfence  }
0x2f: {  	s30 =	sld [smem:$0x0];
	_ =	sdelay $0x2  }
0x30: {  	s31 =	sshll.u32 s1, $0xD;
	s1 =	sshrl.u32 s1, $0x2  }
0x31: {  	s3 =	sand.u32 $0x4000, s31;
	s1 =	sadd.s32 s1, s30  }
0x32: {  	s0 =	sor.u32 s3, s0;
	s1 =	sshll.u32 s1, $0x11  }
0x33: {  	s0 =	sor.u32 s1, s0  }
0x34: {  	s0 =	sadd.s32 $0x8F2B, s0  }
0x35: {  	[sflag:s0] =	ssyncadd.remote.s32 $0x1  }
0x36: {  	_ =	sfence.sel $0xFFFF  }
0x37: {  	[dreg:$0x0] =	wrdreg $0xFFFFFFFF;
	(pc) =	sbr.abs _section_cstart, $3  }
0x38: {  	[dreg:$0x1] =	wrdreg $0xFFFFFFFF  }
0x39: {  	_ =	task.clear_ibuf [dreg:s7], $0x2FFFF;
	_ =	strace $0x9FFFFFFF  }
0x3a: {  	(tm) =	ssettm $0x7FFFFFFF  }
0x3b: {  	_ =	shalt  }
tec
execute0_lowered:
.L_overlay_start_1:
0x0: {  	(tag) =	ssettag $0x1  }
0x1: {  	s0 =	srdreg.scid  }
0x2: {  	s1 =	sshll.u32 s0, $0x4  }
0x3: {  	s0 =	stileid.u32;
	s1 =	sand.u32 $0x10, s1  }
0x4: {  	s1 =	sor.u32 s0, s1  }
0x5: {  	s6 =	rddreg [dreg:$0x0];
	s4 =	simm.s32 $0x1;
	s2 =	sshll.u32 s1, $0x7  }
0x6: {  	s7 =	simm.s32 $0x2;
	s12 =	simm.s32 $0x0;
	s1 =	ssub.s32 $0x4000, s2  }
0x7: {  	s8 =	simm.s32 $0x20000;
	s13 =	simm.s32 $0x0;
	s3 =	sand.u32 $0xF80, s1  }
0x8: {  	s9 =	simm.s32 $0x0;
	s5 =	sshrl.u32 s1, $0xC;
	p0 =	sne.s32 s3, $0x0  }
.Ltmp0:
0x9: {  	s1 =	rddreg [dreg:$0x2];
	s4 =	simm.s32 @!p0 $0x0;
	(pc) =	sbr.rel .LBB1_1-.Ltmp0, $4  }
0xa: {  	s11 =	simm.s32 $0x0;
	s3 =	rddreg [dreg:$0x1];
	s5 =	sadd.s32 s4, s5  }
0xb: {  	_ =	strace $0x8000004A;
	s4 =	simm.s32 $0x1;
	s5 =	smul.u32 $0x1A, s5  }
0xc: {  	s6 =	sadd.s32 $0xA00, s6;
	s10 =	smov.u32 s2;
	[sflag:s4] =	ssyncpa.u1 $0x0  }
0xd: {  	p0 =	por $0x0, $0x0;
	[sflag:s7] =	ssyncpa.u1 $0x0;
	s7 =	sor.u32 $0x1, s5  }
.LBB1_4:
0xe: {  	s16 =	sshll.u32 s13, $0x3;
	s17 =	sand.u32 $0x78, s13  }
0xf: {  	s30 =	sand.u32 $0x1F800, s13;
	s12 =	sshll.u32 s12, $0x11;
	s16 =	sand.u32 $0x3C00, s16  }
0x10: {  	[tilespmem:s15+$0x810 ss:$0x81] =	vst.msk $0xffff, v2;
	s31 =	sand.u32 $0x7, s13;
	s16 =	sor.u32 s17, s16;
	s17 =	sadd.s32 s3, s30  }
0x11: {  	[tilespmem:s15+$0x1020 ss:$0x81] =	vst.msk $0xffff, v0;
	s13 =	sshll.u32 s31, $0x12;
	s12 =	sadd.s32 s12, s17;
	s16 =	sshrl.u32 s16, $0x3  }
0x12: {  	[tilespmem:s15+$0x0 ss:$0x81] =	vst.msk $0xffff, v1;
	s13 =	sor.u32 $0x400, s13;
	s12 =	sadd.s32 s16, s12  }
0x13: {  	[hbm4b:s12+s13] =	stream.strided.scatter [tilespmem:s14], [sflag:$0x2], $0x2000, s8, s13, $0x20;
	[tilespmem:$0x8080] =	vst v63  }
.LBB1_5:
0x14: {  	s14 =	sadd.s32 $0x1, s9  }
0x15: {  	s12 =	sadd.s32 $0x1000, s10;
	s16 =	smov.u32 s10;
	p2 =	sgt.s32 s14, $0x19  }
0x16: {  	s16 =	smov.u32 @p2 s12  }
0x17: {  	s14 =	simm.s32 @p2 $0x0;
	p2 =	sgt.s32 s16, $0x3FFF  }
0x18: {  	s16 =	smov.u32 @p2 s2;
	p2 =	sne.s32 s11, s7  }
.Ltmp1:
0x19: {  	p1 =	slt.u32 s11, $0x2;
	(pc) =	sbr.rel @!p2 .LBB1_6-.Ltmp1, $4  }
0x1a: {  	s15 =	simm.s32 @!p1 $0x2  }
0x1b: {  	s13 =	smov.u32 s10;
	p0 =	por !p0, !p0;
	_ =	swait.ge @!p1 [sflag:s15], $0x2000  }
0x1c: {  	s12 =	smov.u32 s9;
	[sflag:s15] =	ssyncset.done @!p1 $0x0;
	s9 =	smov.u32 s14  }
0x1d: {  	s11 =	sadd.s32 $0x1, s11;
	[sflag:s15] =	ssyncadd.s32 @!p1 $0xFFFFE000;
	s10 =	smov.u32 s16  }
.LBB1_1:
0x1e: {  	p1 =	sge.u32 s11, s5  }
0x1f: {  	s31 =	sadd.s32 $0xFFFFFFFF, s11;
	s14 =	sxor.u32 @!p1 $0xFFFFFFFF, s11  }
0x20: {  	s15 =	sshll.u32 @!p1 s10, $0x9;
	s16 =	sshll.u32 @!p1 s9, $0x4;
	s17 =	simm.s32 @!p1 $0x1000  }
0x21: {  	s14 =	sshll.u32 @!p1 s14, $0xD;
	s16 =	sand.u32 @!p1 $0x1F0, s16;
	s15 =	sadd.s32 @!p1 s6, s15  }
0x22: {  	s14 =	sand.u32 @!p1 $0x2000, s14;
	s15 =	sadd.s32 @!p1 s16, s15;
	s16 =	simm.s32 @!p1 $0x40  }
0x23: {  	[tilespmem:s14], [sflag:$0x1] =	stream.strided.gather @!p1 [hbm4b:s15+s16], $0x2000, s17, s16, $0x38;
	[tilespmem:$0x8080] =	vst v63  }
0x24: {  	p1 =	sge.u32 s31, s5  }
.Ltmp2:
0x25: {  	_ = 	snop;
	(pc) =	sbr.rel @p1 .LBB1_5-.Ltmp2, $1  }
0x26: {  	_ =	sdelay $0x3  }
0x27: {  	s14 =	simm.s32 $0x1  }
0x28: {  	_ =	swait.ge [sflag:s4], $0x2000;
	s14 =	simm.s32 @!p0 $0x0  }
0x29: {  	[sflag:s4] =	ssyncset.done $0x0;
	s15 =	sshll.u32 s14, $0xD  }
0x2a: {  	[sflag:s4] =	ssyncadd.s32 $0xFFFFE000;
	s18 =	sor.u32 $0x20, s15  }
0x2b: {  	s14 =	smul.u32 $0x8100, s14;
	v3 =	vld [tilespmem:s18+$0x10]  }
0x2c: {  	s30 =	sand.u32 $0x1, s11;
	v2 =	vld [tilespmem:s18+$0xFFFFFFF0]  }
0x2d: {  	s15 =	smul.u32 $0x8100, s30;
	s14 =	sshrl.u32 s14, $0x2;
	v0 =	vld [tilespmem:s18+$0x0]  }
0x2e: {  	v1 =	vld [tilespmem:s18+$0xFFFFFFE0];
	s16 =	sor.u32 $0x4000, s14  }
0x2f: {  	s31 =	sshrl.u32 s15, $0x2;
	s15 =	sadd.s32 $0x0, s16  }
0x30: {  	s17 =	simm.s32 $0x4;
	s18 =	sadd.s32 $0x40, s18;
	s14 =	sor.u32 $0x4000, s31;
	[tilespmem:s15+$0x1830 ss:$0x81] =	vst.msk $0xffff, v3  }
.LBB1_3:
0x31: {  	v3 =	vld [tilespmem:s18+$0x10];
	p1 =	sne.s32 s17, $0x1FC;
	[tilespmem:s15+$0x810 ss:$0x81] =	vst.msk $0xffff, v2;
	s19 =	smov.u32 s17;
	s17 =	sadd.s32 $0x4, s17  }
.Ltmp3:
0x32: {  	v2 =	vld [tilespmem:s18+$0xFFFFFFF0];
	[tilespmem:s15+$0x1020 ss:$0x81] =	vst.msk $0xffff, v0;
	(pc) =	sbr.rel @p1 .LBB1_3-.Ltmp3, $4  }
0x33: {  	v0 =	vld [tilespmem:s18+$0x0];
	[tilespmem:s15+$0x0 ss:$0x81] =	vst.msk $0xffff, v1  }
0x34: {  	s15 =	sshra.s32 s19, $0x2;
	v1 =	vld [tilespmem:s18+$0xFFFFFFE0]  }
0x35: {  	s15 =	sadd.s32 s15, s16  }
0x36: {  	s18 =	sadd.s32 $0x40, s18;
	[tilespmem:s15+$0x1830 ss:$0x81] =	vst.msk $0xffff, v3  }
.Ltmp4:
0x37: {  	_ = 	snop;
	(pc) =	sbr.rel .LBB1_4-.Ltmp4, $1  }
0x38: {  	_ =	sdelay $0x3  }
.LBB1_6:
0x39: {  	_ =	sfence.sel $0x180000  }
0x3a: {  	s2 =	simm.s32 $0x1;
	[bflag:$0x0] =	sbarrier.arrive $0xFFFF  }
0x3b: {  	s31 =	simm.s32 $0x2;
	[sflag:s2] =	ssyncpa.u1 $0x1  }
0x3c: {  	[sflag:s31] =	ssyncpa.u1 $0x1  }
0x3d: {  	p0 =	sne.s32 s0, $0x0;
	_ =	strace $0x9000004A  }
0x3e: {  	s0 =	sadd.s32 @!p0 $0x100000, s1;
	[bflag:$0x2] =	sbarrier.arrive $0xFFFF  }
0x3f: {  	[sflag:s0] =	ssyncadd.tile.s32 @!p0 $0x1;
	_ =	shalt  }
.Lfunc_end1:
_tile_overlayer_lowered:
.L_overlay_start_2:
0x40: {  	(tag) =	ssettag $0x2  }
0x41: {  	s0 =	rddreg [dreg:$0x0];
	s2 =	stileid.u32  }
0x42: {  	s1 =	rddreg [dreg:$0x1];
	p0 =	sne.s32 s2, $0x0  }
0x43: {  	s3 =	rddreg [dreg:$0x2];
	[bflag:$0x3] =	sbarrier.arrive $0xFFFF;
	s2 =	simm.s32 @!p0 $0x1C01  }
0x44: {  	[timem:s3], [sflag:s2] =	dma.local @!p0 [hbm:s0], s1  }
0x45: {  	s0 =	simm.s32 @!p0 $0x1  }
0x46: {  	_ =	swait.ge @!p0 [sflag:s0], s1  }
0x47: {  	s1 =	ssub.s32 @!p0 $0x0, s1;
	[sflag:s0] =	ssyncset.done @!p0 $0x0  }
0x48: {  	[sflag:s0] =	ssyncadd.s32 @!p0 s1  }
0x49: {  	[bflag:$0x3] =	sbarrier.arrive $0xFFFF  }
0x4a: {  	_ =	shalt  }

</sc_bundles>
